<compile_context>
chip_gen: v7x
topology: tpu7x:2x2x1
jax: 0.10.2.dev20260603
libtpu: 0.0.44.dev20260713+nightly
codegen_flags: <defaults>
</compile_context>

<pallas_src>
import functools

import jax
import jax.numpy as jnp
from jax import lax
from jax.experimental import pallas as pl
from jax.experimental.pallas import tpu as pltpu
from jax.experimental.pallas import tpu_sc as plsc

EPS_ = 1e-07
LN_EPS_ = 1e-12


def _entity_gather(table, ids):
    V, H = table.shape
    NW, n_ch, CH = ids.shape
    BM = NW * n_ch * CH
    b_per_w = n_ch * CH
    info = plsc.get_sparse_core_info()
    NC = info.num_cores
    mesh = plsc.VectorSubcoreMesh(core_axis_name="c", subcore_axis_name="s")

    @functools.partial(
        pl.kernel,
        mesh=mesh,
        out_type=jax.ShapeDtypeStruct((BM, H), jnp.float32),
        scratch_types=[
            pltpu.VMEM((n_ch, CH), jnp.int32),
            pltpu.VMEM((CH, H), jnp.float32),
            pltpu.VMEM((CH, H), jnp.float32),
            pltpu.SemaphoreType.DMA,
            pltpu.SemaphoreType.DMA,
            pltpu.SemaphoreType.DMA,
            pltpu.SemaphoreType.DMA,
        ],
    )
    def gather_k(table_hbm, idx_hbm, out_hbm, idx_v, buf0, buf1,
                 gs0, gs1, ss0, ss1):
        wid = lax.axis_index("s") * NC + lax.axis_index("c")
        base = wid * b_per_w
        pltpu.sync_copy(idx_hbm.at[wid], idx_v)
        bufs = (buf0, buf1)
        gsems = (gs0, gs1)
        ssems = (ss0, ss1)
        gcp = [None] * n_ch
        scp = [None] * n_ch
        gcp[0] = pltpu.async_copy(
            table_hbm.at[idx_v.at[0]], bufs[0], gsems[0])
        for c in range(n_ch):
            gcp[c].wait()
            scp[c] = pltpu.async_copy(
                bufs[c % 2], out_hbm.at[pl.ds(base + c * CH, CH)],
                ssems[c % 2])
            if c + 1 < n_ch:
                if c >= 1:
                    scp[c - 1].wait()
                gcp[c + 1] = pltpu.async_copy(
                    table_hbm.at[idx_v.at[c + 1]],
                    bufs[(c + 1) % 2], gsems[(c + 1) % 2])
        scp[n_ch - 1].wait()

    return gather_k(table, ids)


def _fuse(ent_emb, ids_all, pos_table, tt_table, gamma, beta, L):
    BM = ids_all.shape[0]
    P, H = pos_table.shape
    R = 512
    nb = BM // R

    def body(ids_ref, ent_ref, pt_ref, tt_ref, g_ref, b_ref, o_ref):
        ids = ids_ref[...]
        cols = lax.broadcasted_iota(jnp.int16, (R, P), 1)
        ids16 = ids.astype(jnp.int16)
        counts = jnp.zeros((R, P), jnp.int16)
        valid = jnp.zeros((R, 1), jnp.float32)
        for l in range(L):
            idl = ids16[:, l:l + 1]
            counts = counts + (idl == cols).astype(jnp.int16)
            valid = valid + (ids[:, l:l + 1] != -1).astype(jnp.float32)
        pos_sum = jnp.dot(counts.astype(jnp.bfloat16), pt_ref[...],
                          preferred_element_type=jnp.float32)
        pooled = pos_sum / jnp.maximum(valid, EPS_)
        ttf = ids[:, L:L + 1].astype(jnp.float32)
        tt0 = tt_ref[0:1, :]
        tt1 = tt_ref[1:2, :]
        emb = ent_ref[...] + pooled + tt0 + ttf * (tt1 - tt0)
        mean = jnp.mean(emb, axis=1, keepdims=True)
        cent = emb - mean
        var = jnp.mean(cent * cent, axis=1, keepdims=True)
        o_ref[...] = (cent * lax.rsqrt(var + LN_EPS_) * g_ref[...]
                      + b_ref[...])

    return pl.pallas_call(
        body,
        grid=(nb,),
        in_specs=[
            pl.BlockSpec((R, 32), lambda i: (i, 0)),
            pl.BlockSpec((R, H), lambda i: (i, 0)),
            pl.BlockSpec((P, H), lambda i: (0, 0)),
            pl.BlockSpec((tt_table.shape[0], H), lambda i: (0, 0)),
            pl.BlockSpec((1, H), lambda i: (0, 0)),
            pl.BlockSpec((1, H), lambda i: (0, 0)),
        ],
        out_specs=pl.BlockSpec((R, H), lambda i: (i, 0)),
        out_shape=jax.ShapeDtypeStruct((BM, H), jnp.float32),
    )(ids_all, ent_emb, pos_table, tt_table, gamma, beta)


def kernel(entity_ids, position_ids, token_type_ids, entity_table,
           position_table, token_type_table, gamma, beta):
    B, M = entity_ids.shape
    L = position_ids.shape[-1]
    H = entity_table.shape[1]
    BM = B * M

    NW, CH = 32, 128
    eids = entity_ids.T.reshape(NW, BM // (NW * CH), CH).astype(jnp.int32)
    ent_emb = _entity_gather(entity_table, eids)

    pos = position_ids.transpose(1, 0, 2).reshape(BM, L).astype(jnp.int32)
    tt = token_type_ids.T.reshape(BM, 1).astype(jnp.int32)
    pad = jnp.full((BM, 32 - L - 1), -1, jnp.int32)
    ids_all = jnp.concatenate([pos, tt, pad], axis=1)

    out = _fuse(ent_emb, ids_all, position_table.astype(jnp.bfloat16),
                token_type_table, gamma.reshape(1, H), beta.reshape(1, H), L)
    return out.reshape(M, B, H).transpose(1, 0, 2)

# --- scband reference (transcript-rebuilt; emitter-appended) ---
"""Pipeline reference for scband-entity-embeddings-50354196578703 (READ-ONLY COPY).

The authoritative reference and input builder live on the scoring server;
editing this copy changes nothing except your own understanding.
"""

import jax, jax.numpy as jnp
import numpy as np

EPS = 1e-07
LN_EPS = 1e-12

def setup_inputs(seed: int = 0) -> dict:
    key = jax.random.key(seed)
    ks = jax.random.split(key, 8)
    B, M, L, H = 1024, 20, 16, 256
    V, P, T = 100000, 512, 2
    entity_ids = jax.random.randint(ks[0], (B, M), 0, V, dtype=jnp.int64) if jax.config.read('jax_enable_x64') else jax.random.randint(ks[0], (B, M), 0, V)
    position_ids = jax.random.randint(ks[1], (B, M, L), 0, P)
    token_type_ids = jax.random.randint(ks[2], (B, M), 0, T)
    entity_table = (jax.random.normal(ks[3], (V, H), dtype=jnp.float32) * 0.02).at[0].set(0.0)
    position_table = jax.random.normal(ks[4], (P, H), dtype=jnp.float32) * 0.02
    token_type_table = jax.random.normal(ks[5], (T, H), dtype=jnp.float32) * 0.02
    gamma = jnp.ones((H,), dtype=jnp.float32)
    beta = jnp.zeros((H,), dtype=jnp.float32)
    return {
        'entity_ids': entity_ids,
        'position_ids': position_ids,
        'token_type_ids': token_type_ids,
        'entity_table': entity_table,
        'position_table': position_table,
        'token_type_table': token_type_table,
        'gamma': gamma,
        'beta': beta,
    }

def reference(entity_ids, position_ids, token_type_ids, entity_table, position_table, token_type_table, gamma, beta):
    # entity embedding lookup (entity_emb_size is None -> no dense projection)
    entity_embeddings = jnp.take(entity_table, entity_ids, axis=0)
    # position embeddings: gather with clamp(min=0), mask out -1 positions, mean-pool
    position_embeddings = jnp.take(position_table, jnp.clip(position_ids, 0, None), axis=0)
    position_embedding_mask = (position_ids != -1).astype(position_embeddings.dtype)[..., None]
    position_embeddings = position_embeddings * position_embedding_mask
    position_embeddings = jnp.sum(position_embeddings, axis=-2)
    position_embeddings = position_embeddings / jnp.clip(jnp.sum(position_embedding_mask, axis=-2), EPS, None)
    # token type embeddings
    token_type_embeddings = jnp.take(token_type_table, token_type_ids, axis=0)
    embeddings = entity_embeddings + position_embeddings + token_type_embeddings
    # LayerNorm (eps = config.layer_norm_eps = 1e-12)
    mean = jnp.mean(embeddings, axis=-1, keepdims=True)
    var = jnp.mean(jnp.square(embeddings - mean), axis=-1, keepdims=True)
    embeddings = (embeddings - mean) / jnp.sqrt(var + LN_EPS) * gamma + beta
    # dropout is identity in eval mode
    return embeddings

if __name__ == "__main__":
    import jax
    _d = setup_inputs()
    print(jax.jit(kernel)(*tuple(_d.values())))

</pallas_src>

<mosaic_0001>
#map = affine_map<(d0, d1) -> (0, 0)>
#map1 = affine_map<(d0, d1) -> (0, 0, 0)>
module attributes {stable_mosaic.version = 14 : i64} {
  func.func @gather_k(%arg0: i32, %arg1: i32, %arg2: memref<100000x256xf32, #tpu.memory_space<hbm>>, %arg3: memref<32x5x128xi32, #tpu.memory_space<hbm>>, %arg4: memref<20480x256xf32, #tpu.memory_space<hbm>>, %arg5: memref<5x128xi32, #tpu.memory_space<vmem>>, %arg6: memref<128x256xf32, #tpu.memory_space<vmem>>, %arg7: memref<128x256xf32, #tpu.memory_space<vmem>>, %arg8: memref<!tpu.dma_semaphore, #tpu.memory_space<semaphore_mem>>, %arg9: memref<!tpu.dma_semaphore, #tpu.memory_space<semaphore_mem>>, %arg10: memref<!tpu.dma_semaphore, #tpu.memory_space<semaphore_mem>>, %arg11: memref<!tpu.dma_semaphore, #tpu.memory_space<semaphore_mem>>) attributes {dimension_semantics = [#tpu.dimension_semantics<core_parallel>, #tpu.dimension_semantics<subcore_parallel>], iteration_bounds = array<i64: 2, 16>, scalar_prefetch = 0 : i64, scratch_operands = 7 : i64, tpu.core_type = #tpu.core_type<sc_vector_subcore>, window_params = [{transform_indices = #map}, {transform_indices = #map1}, {transform_indices = #map}]} {
    %mul3A = arith.constant 2 : i32
    %mul3A_0 = arith.muli %arg1, %mul3A : i32
    %add3A = arith.addi %mul3A_0, %arg0 : i32
    %mul3A_1 = arith.constant 640 : i32
    %mul3A_2 = arith.muli %add3A, %mul3A_1 : i32
    "tpu.region"() ({
      %run_scoped3A = tpu.sem_alloc : memref<!tpu.dma_semaphore, #tpu.memory_space<semaphore_mem>>
      %dma_start3A_117 = arith.constant 0 : i32
      %dma_start3A_118 = arith.constant 0 : i32
      %dma_start3A_119 = tpu.memref_slice %arg3[%add3A, %dma_start3A_117, %dma_start3A_118] : memref<32x5x128xi32, #tpu.memory_space<hbm>> -> memref<1x5x128xi32, #tpu.memory_space<hbm>>
      %dma_start3A_120 = tpu.memref_squeeze %dma_start3A_119 : memref<1x5x128xi32, #tpu.memory_space<hbm>> -> memref<5x128xi32, #tpu.memory_space<hbm>>
      %dma_start3A_121 = arith.constant 0 : i32
      %dma_start3A_122 = arith.constant 0 : i32
      %dma_start3A_123 = tpu.memref_slice %arg3[%add3A, %dma_start3A_121, %dma_start3A_122] : memref<32x5x128xi32, #tpu.memory_space<hbm>> -> memref<1x5x128xi32, #tpu.memory_space<hbm>>
      %dma_start3A_124 = tpu.memref_squeeze %dma_start3A_123 : memref<1x5x128xi32, #tpu.memory_space<hbm>> -> memref<5x128xi32, #tpu.memory_space<hbm>>
      tpu.enqueue_dma source(%dma_start3A_124 : memref<5x128xi32, #tpu.memory_space<hbm>>) target(%arg5 : memref<5x128xi32, #tpu.memory_space<vmem>>) target_semaphore(%run_scoped3A : memref<!tpu.dma_semaphore, #tpu.memory_space<semaphore_mem>>)
      %dma_wait3A_125 = arith.constant 0 : i32
      %dma_wait3A_126 = arith.constant 0 : i32
      %dma_wait3A_127 = tpu.memref_slice %arg3[%add3A, %dma_wait3A_125, %dma_wait3A_126] : memref<32x5x128xi32, #tpu.memory_space<hbm>> -> memref<1x5x128xi32, #tpu.memory_space<hbm>>
      %dma_wait3A_128 = tpu.memref_squeeze %dma_wait3A_127 : memref<1x5x128xi32, #tpu.memory_space<hbm>> -> memref<5x128xi32, #tpu.memory_space<hbm>>
      %dma_wait3A_129 = arith.constant 0 : i32
      %dma_wait3A_130 = arith.constant 0 : i32
      %dma_wait3A_131 = tpu.memref_slice %arg3[%add3A, %dma_wait3A_129, %dma_wait3A_130] : memref<32x5x128xi32, #tpu.memory_space<hbm>> -> memref<1x5x128xi32, #tpu.memory_space<hbm>>
      %dma_wait3A_132 = tpu.memref_squeeze %dma_wait3A_131 : memref<1x5x128xi32, #tpu.memory_space<hbm>> -> memref<5x128xi32, #tpu.memory_space<hbm>>
      tpu.wait_dma2 semaphore(%run_scoped3A : memref<!tpu.dma_semaphore, #tpu.memory_space<semaphore_mem>>) src(%dma_wait3A_132 : memref<5x128xi32, #tpu.memory_space<hbm>>) dst(%arg5 : memref<5x128xi32, #tpu.memory_space<vmem>>)
      tpu.yield
    }) : () -> ()
    %dma_start3A = arith.constant 0 : i32
    %dma_start3A_3 = arith.constant 0 : i32
    %dma_start3A_4 = tpu.memref_slice %arg5[%dma_start3A, %dma_start3A_3] : memref<5x128xi32, #tpu.memory_space<vmem>> -> memref<1x128xi32, #tpu.memory_space<vmem>>
    %dma_start3A_5 = tpu.memref_squeeze %dma_start3A_4 : memref<1x128xi32, #tpu.memory_space<vmem>> -> memref<128xi32, #tpu.memory_space<vmem>>
    %dma_start3A_6 = arith.constant 0 : i32
    %dma_start3A_7 = arith.constant 0 : i32
    %dma_start3A_8 = tpu.memref_slice %arg2[%dma_start3A_6, %dma_start3A_7] : memref<100000x256xf32, #tpu.memory_space<hbm>> -> memref<100000x256xf32, #tpu.memory_space<hbm>>
    tpu.enqueue_indirect_dma source(%dma_start3A_8 : memref<100000x256xf32, #tpu.memory_space<hbm>>) target(%arg6 : memref<128x256xf32, #tpu.memory_space<vmem>>) offsets(%dma_start3A_5 : memref<128xi32, #tpu.memory_space<vmem>>) semaphore(%arg8 : memref<!tpu.dma_semaphore, #tpu.memory_space<semaphore_mem>>)
    %dma_wait3A = arith.constant 0 : i32
    %dma_wait3A_9 = arith.constant 0 : i32
    %dma_wait3A_10 = tpu.memref_slice %arg5[%dma_wait3A, %dma_wait3A_9] : memref<5x128xi32, #tpu.memory_space<vmem>> -> memref<1x128xi32, #tpu.memory_space<vmem>>
    %dma_wait3A_11 = tpu.memref_squeeze %dma_wait3A_10 : memref<1x128xi32, #tpu.memory_space<vmem>> -> memref<128xi32, #tpu.memory_space<vmem>>
    %dma_wait3A_12 = arith.constant 0 : i32
    %dma_wait3A_13 = arith.constant 0 : i32
    %dma_wait3A_14 = tpu.memref_slice %arg2[%dma_wait3A_12, %dma_wait3A_13] : memref<100000x256xf32, #tpu.memory_space<hbm>> -> memref<100000x256xf32, #tpu.memory_space<hbm>>
    tpu.wait_indirect_dma semaphore(%arg8 : memref<!tpu.dma_semaphore, #tpu.memory_space<semaphore_mem>>) src(%dma_wait3A_14 : memref<100000x256xf32, #tpu.memory_space<hbm>>) dst(%arg6 : memref<128x256xf32, #tpu.memory_space<vmem>>)
    %add3A_15 = arith.constant 0 : i32
    %add3A_16 = arith.addi %mul3A_2, %add3A_15 : i32
    %dma_start3A_17 = arith.constant 0 : i32
    %dma_start3A_18 = tpu.memref_slice %arg4[%add3A_16, %dma_start3A_17] : memref<20480x256xf32, #tpu.memory_space<hbm>> -> memref<128x256xf32, #tpu.memory_space<hbm>>
    %dma_start3A_19 = arith.constant 0 : i32
    %dma_start3A_20 = tpu.memref_slice %arg4[%add3A_16, %dma_start3A_19] : memref<20480x256xf32, #tpu.memory_space<hbm>> -> memref<128x256xf32, #tpu.memory_space<hbm>>
    tpu.enqueue_dma source(%arg6 : memref<128x256xf32, #tpu.memory_space<vmem>>) target(%dma_start3A_20 : memref<128x256xf32, #tpu.memory_space<hbm>>) target_semaphore(%arg10 : memref<!tpu.dma_semaphore, #tpu.memory_space<semaphore_mem>>)
    %dma_start3A_21 = arith.constant 1 : i32
    %dma_start3A_22 = arith.constant 0 : i32
    %dma_start3A_23 = tpu.memref_slice %arg5[%dma_start3A_21, %dma_start3A_22] : memref<5x128xi32, #tpu.memory_space<vmem>> -> memref<1x128xi32, #tpu.memory_space<vmem>>
    %dma_start3A_24 = tpu.memref_squeeze %dma_start3A_23 : memref<1x128xi32, #tpu.memory_space<vmem>> -> memref<128xi32, #tpu.memory_space<vmem>>
    %dma_start3A_25 = arith.constant 0 : i32
    %dma_start3A_26 = arith.constant 0 : i32
    %dma_start3A_27 = tpu.memref_slice %arg2[%dma_start3A_25, %dma_start3A_26] : memref<100000x256xf32, #tpu.memory_space<hbm>> -> memref<100000x256xf32, #tpu.memory_space<hbm>>
    tpu.enqueue_indirect_dma source(%dma_start3A_27 : memref<100000x256xf32, #tpu.memory_space<hbm>>) target(%arg7 : memref<128x256xf32, #tpu.memory_space<vmem>>) offsets(%dma_start3A_24 : memref<128xi32, #tpu.memory_space<vmem>>) semaphore(%arg9 : memref<!tpu.dma_semaphore, #tpu.memory_space<semaphore_mem>>)
    %dma_wait3A_28 = arith.constant 1 : i32
    %dma_wait3A_29 = arith.constant 0 : i32
    %dma_wait3A_30 = tpu.memref_slice %arg5[%dma_wait3A_28, %dma_wait3A_29] : memref<5x128xi32, #tpu.memory_space<vmem>> -> memref<1x128xi32, #tpu.memory_space<vmem>>
    %dma_wait3A_31 = tpu.memref_squeeze %dma_wait3A_30 : memref<1x128xi32, #tpu.memory_space<vmem>> -> memref<128xi32, #tpu.memory_space<vmem>>
    %dma_wait3A_32 = arith.constant 0 : i32
    %dma_wait3A_33 = arith.constant 0 : i32
    %dma_wait3A_34 = tpu.memref_slice %arg2[%dma_wait3A_32, %dma_wait3A_33] : memref<100000x256xf32, #tpu.memory_space<hbm>> -> memref<100000x256xf32, #tpu.memory_space<hbm>>
    tpu.wait_indirect_dma semaphore(%arg9 : memref<!tpu.dma_semaphore, #tpu.memory_space<semaphore_mem>>) src(%dma_wait3A_34 : memref<100000x256xf32, #tpu.memory_space<hbm>>) dst(%arg7 : memref<128x256xf32, #tpu.memory_space<vmem>>)
    %add3A_35 = arith.constant 128 : i32
    %add3A_36 = arith.addi %mul3A_2, %add3A_35 : i32
    %dma_start3A_37 = arith.constant 0 : i32
    %dma_start3A_38 = tpu.memref_slice %arg4[%add3A_36, %dma_start3A_37] : memref<20480x256xf32, #tpu.memory_space<hbm>> -> memref<128x256xf32, #tpu.memory_space<hbm>>
    %dma_start3A_39 = arith.constant 0 : i32
    %dma_start3A_40 = tpu.memref_slice %arg4[%add3A_36, %dma_start3A_39] : memref<20480x256xf32, #tpu.memory_space<hbm>> -> memref<128x256xf32, #tpu.memory_space<hbm>>
    tpu.enqueue_dma source(%arg7 : memref<128x256xf32, #tpu.memory_space<vmem>>) target(%dma_start3A_40 : memref<128x256xf32, #tpu.memory_space<hbm>>) target_semaphore(%arg11 : memref<!tpu.dma_semaphore, #tpu.memory_space<semaphore_mem>>)
    %dma_wait3A_41 = arith.constant 0 : i32
    %dma_wait3A_42 = tpu.memref_slice %arg4[%add3A_16, %dma_wait3A_41] : memref<20480x256xf32, #tpu.memory_space<hbm>> -> memref<128x256xf32, #tpu.memory_space<hbm>>
    %dma_wait3A_43 = arith.constant 0 : i32
    %dma_wait3A_44 = tpu.memref_slice %arg4[%add3A_16, %dma_wait3A_43] : memref<20480x256xf32, #tpu.memory_space<hbm>> -> memref<128x256xf32, #tpu.memory_space<hbm>>
    tpu.wait_dma2 semaphore(%arg10 : memref<!tpu.dma_semaphore, #tpu.memory_space<semaphore_mem>>) src(%arg6 : memref<128x256xf32, #tpu.memory_space<vmem>>) dst(%dma_wait3A_44 : memref<128x256xf32, #tpu.memory_space<hbm>>)
    %dma_start3A_45 = arith.constant 2 : i32
    %dma_start3A_46 = arith.constant 0 : i32
    %dma_start3A_47 = tpu.memref_slice %arg5[%dma_start3A_45, %dma_start3A_46] : memref<5x128xi32, #tpu.memory_space<vmem>> -> memref<1x128xi32, #tpu.memory_space<vmem>>
    %dma_start3A_48 = tpu.memref_squeeze %dma_start3A_47 : memref<1x128xi32, #tpu.memory_space<vmem>> -> memref<128xi32, #tpu.memory_space<vmem>>
    %dma_start3A_49 = arith.constant 0 : i32
    %dma_start3A_50 = arith.constant 0 : i32
    %dma_start3A_51 = tpu.memref_slice %arg2[%dma_start3A_49, %dma_start3A_50] : memref<100000x256xf32, #tpu.memory_space<hbm>> -> memref<100000x256xf32, #tpu.memory_space<hbm>>
    tpu.enqueue_indirect_dma source(%dma_start3A_51 : memref<100000x256xf32, #tpu.memory_space<hbm>>) target(%arg6 : memref<128x256xf32, #tpu.memory_space<vmem>>) offsets(%dma_start3A_48 : memref<128xi32, #tpu.memory_space<vmem>>) semaphore(%arg8 : memref<!tpu.dma_semaphore, #tpu.memory_space<semaphore_mem>>)
    %dma_wait3A_52 = arith.constant 2 : i32
    %dma_wait3A_53 = arith.constant 0 : i32
    %dma_wait3A_54 = tpu.memref_slice %arg5[%dma_wait3A_52, %dma_wait3A_53] : memref<5x128xi32, #tpu.memory_space<vmem>> -> memref<1x128xi32, #tpu.memory_space<vmem>>
    %dma_wait3A_55 = tpu.memref_squeeze %dma_wait3A_54 : memref<1x128xi32, #tpu.memory_space<vmem>> -> memref<128xi32, #tpu.memory_space<vmem>>
    %dma_wait3A_56 = arith.constant 0 : i32
    %dma_wait3A_57 = arith.constant 0 : i32
    %dma_wait3A_58 = tpu.memref_slice %arg2[%dma_wait3A_56, %dma_wait3A_57] : memref<100000x256xf32, #tpu.memory_space<hbm>> -> memref<100000x256xf32, #tpu.memory_space<hbm>>
    tpu.wait_indirect_dma semaphore(%arg8 : memref<!tpu.dma_semaphore, #tpu.memory_space<semaphore_mem>>) src(%dma_wait3A_58 : memref<100000x256xf32, #tpu.memory_space<hbm>>) dst(%arg6 : memref<128x256xf32, #tpu.memory_space<vmem>>)
    %add3A_59 = arith.constant 256 : i32
    %add3A_60 = arith.addi %mul3A_2, %add3A_59 : i32
    %dma_start3A_61 = arith.constant 0 : i32
    %dma_start3A_62 = tpu.memref_slice %arg4[%add3A_60, %dma_start3A_61] : memref<20480x256xf32, #tpu.memory_space<hbm>> -> memref<128x256xf32, #tpu.memory_space<hbm>>
    %dma_start3A_63 = arith.constant 0 : i32
    %dma_start3A_64 = tpu.memref_slice %arg4[%add3A_60, %dma_start3A_63] : memref<20480x256xf32, #tpu.memory_space<hbm>> -> memref<128x256xf32, #tpu.memory_space<hbm>>
    tpu.enqueue_dma source(%arg6 : memref<128x256xf32, #tpu.memory_space<vmem>>) target(%dma_start3A_64 : memref<128x256xf32, #tpu.memory_space<hbm>>) target_semaphore(%arg10 : memref<!tpu.dma_semaphore, #tpu.memory_space<semaphore_mem>>)
    %dma_wait3A_65 = arith.constant 0 : i32
    %dma_wait3A_66 = tpu.memref_slice %arg4[%add3A_36, %dma_wait3A_65] : memref<20480x256xf32, #tpu.memory_space<hbm>> -> memref<128x256xf32, #tpu.memory_space<hbm>>
    %dma_wait3A_67 = arith.constant 0 : i32
    %dma_wait3A_68 = tpu.memref_slice %arg4[%add3A_36, %dma_wait3A_67] : memref<20480x256xf32, #tpu.memory_space<hbm>> -> memref<128x256xf32, #tpu.memory_space<hbm>>
    tpu.wait_dma2 semaphore(%arg11 : memref<!tpu.dma_semaphore, #tpu.memory_space<semaphore_mem>>) src(%arg7 : memref<128x256xf32, #tpu.memory_space<vmem>>) dst(%dma_wait3A_68 : memref<128x256xf32, #tpu.memory_space<hbm>>)
    %dma_start3A_69 = arith.constant 3 : i32
    %dma_start3A_70 = arith.constant 0 : i32
    %dma_start3A_71 = tpu.memref_slice %arg5[%dma_start3A_69, %dma_start3A_70] : memref<5x128xi32, #tpu.memory_space<vmem>> -> memref<1x128xi32, #tpu.memory_space<vmem>>
    %dma_start3A_72 = tpu.memref_squeeze %dma_start3A_71 : memref<1x128xi32, #tpu.memory_space<vmem>> -> memref<128xi32, #tpu.memory_space<vmem>>
    %dma_start3A_73 = arith.constant 0 : i32
    %dma_start3A_74 = arith.constant 0 : i32
    %dma_start3A_75 = tpu.memref_slice %arg2[%dma_start3A_73, %dma_start3A_74] : memref<100000x256xf32, #tpu.memory_space<hbm>> -> memref<100000x256xf32, #tpu.memory_space<hbm>>
    tpu.enqueue_indirect_dma source(%dma_start3A_75 : memref<100000x256xf32, #tpu.memory_space<hbm>>) target(%arg7 : memref<128x256xf32, #tpu.memory_space<vmem>>) offsets(%dma_start3A_72 : memref<128xi32, #tpu.memory_space<vmem>>) semaphore(%arg9 : memref<!tpu.dma_semaphore, #tpu.memory_space<semaphore_mem>>)
    %dma_wait3A_76 = arith.constant 3 : i32
    %dma_wait3A_77 = arith.constant 0 : i32
    %dma_wait3A_78 = tpu.memref_slice %arg5[%dma_wait3A_76, %dma_wait3A_77] : memref<5x128xi32, #tpu.memory_space<vmem>> -> memref<1x128xi32, #tpu.memory_space<vmem>>
    %dma_wait3A_79 = tpu.memref_squeeze %dma_wait3A_78 : memref<1x128xi32, #tpu.memory_space<vmem>> -> memref<128xi32, #tpu.memory_space<vmem>>
    %dma_wait3A_80 = arith.constant 0 : i32
    %dma_wait3A_81 = arith.constant 0 : i32
    %dma_wait3A_82 = tpu.memref_slice %arg2[%dma_wait3A_80, %dma_wait3A_81] : memref<100000x256xf32, #tpu.memory_space<hbm>> -> memref<100000x256xf32, #tpu.memory_space<hbm>>
    tpu.wait_indirect_dma semaphore(%arg9 : memref<!tpu.dma_semaphore, #tpu.memory_space<semaphore_mem>>) src(%dma_wait3A_82 : memref<100000x256xf32, #tpu.memory_space<hbm>>) dst(%arg7 : memref<128x256xf32, #tpu.memory_space<vmem>>)
    %add3A_83 = arith.constant 384 : i32
    %add3A_84 = arith.addi %mul3A_2, %add3A_83 : i32
    %dma_start3A_85 = arith.constant 0 : i32
    %dma_start3A_86 = tpu.memref_slice %arg4[%add3A_84, %dma_start3A_85] : memref<20480x256xf32, #tpu.memory_space<hbm>> -> memref<128x256xf32, #tpu.memory_space<hbm>>
    %dma_start3A_87 = arith.constant 0 : i32
    %dma_start3A_88 = tpu.memref_slice %arg4[%add3A_84, %dma_start3A_87] : memref<20480x256xf32, #tpu.memory_space<hbm>> -> memref<128x256xf32, #tpu.memory_space<hbm>>
    tpu.enqueue_dma source(%arg7 : memref<128x256xf32, #tpu.memory_space<vmem>>) target(%dma_start3A_88 : memref<128x256xf32, #tpu.memory_space<hbm>>) target_semaphore(%arg11 : memref<!tpu.dma_semaphore, #tpu.memory_space<semaphore_mem>>)
    %dma_wait3A_89 = arith.constant 0 : i32
    %dma_wait3A_90 = tpu.memref_slice %arg4[%add3A_60, %dma_wait3A_89] : memref<20480x256xf32, #tpu.memory_space<hbm>> -> memref<128x256xf32, #tpu.memory_space<hbm>>
    %dma_wait3A_91 = arith.constant 0 : i32
    %dma_wait3A_92 = tpu.memref_slice %arg4[%add3A_60, %dma_wait3A_91] : memref<20480x256xf32, #tpu.memory_space<hbm>> -> memref<128x256xf32, #tpu.memory_space<hbm>>
    tpu.wait_dma2 semaphore(%arg10 : memref<!tpu.dma_semaphore, #tpu.memory_space<semaphore_mem>>) src(%arg6 : memref<128x256xf32, #tpu.memory_space<vmem>>) dst(%dma_wait3A_92 : memref<128x256xf32, #tpu.memory_space<hbm>>)
    %dma_start3A_93 = arith.constant 4 : i32
    %dma_start3A_94 = arith.constant 0 : i32
    %dma_start3A_95 = tpu.memref_slice %arg5[%dma_start3A_93, %dma_start3A_94] : memref<5x128xi32, #tpu.memory_space<vmem>> -> memref<1x128xi32, #tpu.memory_space<vmem>>
    %dma_start3A_96 = tpu.memref_squeeze %dma_start3A_95 : memref<1x128xi32, #tpu.memory_space<vmem>> -> memref<128xi32, #tpu.memory_space<vmem>>
    %dma_start3A_97 = arith.constant 0 : i32
    %dma_start3A_98 = arith.constant 0 : i32
    %dma_start3A_99 = tpu.memref_slice %arg2[%dma_start3A_97, %dma_start3A_98] : memref<100000x256xf32, #tpu.memory_space<hbm>> -> memref<100000x256xf32, #tpu.memory_space<hbm>>
    tpu.enqueue_indirect_dma source(%dma_start3A_99 : memref<100000x256xf32, #tpu.memory_space<hbm>>) target(%arg6 : memref<128x256xf32, #tpu.memory_space<vmem>>) offsets(%dma_start3A_96 : memref<128xi32, #tpu.memory_space<vmem>>) semaphore(%arg8 : memref<!tpu.dma_semaphore, #tpu.memory_space<semaphore_mem>>)
    %dma_wait3A_100 = arith.constant 4 : i32
    %dma_wait3A_101 = arith.constant 0 : i32
    %dma_wait3A_102 = tpu.memref_slice %arg5[%dma_wait3A_100, %dma_wait3A_101] : memref<5x128xi32, #tpu.memory_space<vmem>> -> memref<1x128xi32, #tpu.memory_space<vmem>>
    %dma_wait3A_103 = tpu.memref_squeeze %dma_wait3A_102 : memref<1x128xi32, #tpu.memory_space<vmem>> -> memref<128xi32, #tpu.memory_space<vmem>>
    %dma_wait3A_104 = arith.constant 0 : i32
    %dma_wait3A_105 = arith.constant 0 : i32
    %dma_wait3A_106 = tpu.memref_slice %arg2[%dma_wait3A_104, %dma_wait3A_105] : memref<100000x256xf32, #tpu.memory_space<hbm>> -> memref<100000x256xf32, #tpu.memory_space<hbm>>
    tpu.wait_indirect_dma semaphore(%arg8 : memref<!tpu.dma_semaphore, #tpu.memory_space<semaphore_mem>>) src(%dma_wait3A_106 : memref<100000x256xf32, #tpu.memory_space<hbm>>) dst(%arg6 : memref<128x256xf32, #tpu.memory_space<vmem>>)
    %add3A_107 = arith.constant 512 : i32
    %add3A_108 = arith.addi %mul3A_2, %add3A_107 : i32
    %dma_start3A_109 = arith.constant 0 : i32
    %dma_start3A_110 = tpu.memref_slice %arg4[%add3A_108, %dma_start3A_109] : memref<20480x256xf32, #tpu.memory_space<hbm>> -> memref<128x256xf32, #tpu.memory_space<hbm>>
    %dma_start3A_111 = arith.constant 0 : i32
    %dma_start3A_112 = tpu.memref_slice %arg4[%add3A_108, %dma_start3A_111] : memref<20480x256xf32, #tpu.memory_space<hbm>> -> memref<128x256xf32, #tpu.memory_space<hbm>>
    tpu.enqueue_dma source(%arg6 : memref<128x256xf32, #tpu.memory_space<vmem>>) target(%dma_start3A_112 : memref<128x256xf32, #tpu.memory_space<hbm>>) target_semaphore(%arg10 : memref<!tpu.dma_semaphore, #tpu.memory_space<semaphore_mem>>)
    %dma_wait3A_113 = arith.constant 0 : i32
    %dma_wait3A_114 = tpu.memref_slice %arg4[%add3A_108, %dma_wait3A_113] : memref<20480x256xf32, #tpu.memory_space<hbm>> -> memref<128x256xf32, #tpu.memory_space<hbm>>
    %dma_wait3A_115 = arith.constant 0 : i32
    %dma_wait3A_116 = tpu.memref_slice %arg4[%add3A_108, %dma_wait3A_115] : memref<20480x256xf32, #tpu.memory_space<hbm>> -> memref<128x256xf32, #tpu.memory_space<hbm>>
    tpu.wait_dma2 semaphore(%arg10 : memref<!tpu.dma_semaphore, #tpu.memory_space<semaphore_mem>>) src(%arg6 : memref<128x256xf32, #tpu.memory_space<vmem>>) dst(%dma_wait3A_116 : memref<128x256xf32, #tpu.memory_space<hbm>>)
    return
  }
}

module attributes {stable_mosaic.version = 14 : i64} {
  func.func @body(%arg0: i32, %arg1: memref<512x32xi32, #tpu.memory_space<vmem>>, %arg2: memref<512x256xf32, #tpu.memory_space<vmem>>, %arg3: memref<512x256xbf16, #tpu.memory_space<vmem>>, %arg4: memref<2x256xf32, #tpu.memory_space<vmem>>, %arg5: memref<1x256xf32, #tpu.memory_space<vmem>>, %arg6: memref<1x256xf32, #tpu.memory_space<vmem>>, %arg7: memref<512x256xf32, #tpu.memory_space<vmem>>) attributes {dimension_semantics = [#tpu.dimension_semantics<arbitrary>], iteration_bounds = array<i64: 40>, scalar_prefetch = 0 : i64, scratch_operands = 0 : i64, tpu.core_type = #tpu.core_type<tc>, window_params = [{transform_indices = @transform_0, window_bounds = array<i64: 512, 32>}, {transform_indices = @transform_1, window_bounds = array<i64: 512, 256>}, {pipeline_mode = #tpu.pipeline_mode<synchronous>, transform_indices = @transform_2, window_bounds = array<i64: 512, 256>}, {pipeline_mode = #tpu.pipeline_mode<synchronous>, transform_indices = @transform_3, window_bounds = array<i64: 2, 256>}, {pipeline_mode = #tpu.pipeline_mode<synchronous>, transform_indices = @transform_4, window_bounds = array<i64: 1, 256>}, {pipeline_mode = #tpu.pipeline_mode<synchronous>, transform_indices = @transform_5, window_bounds = array<i64: 1, 256>}, {transform_indices = @transform_6, window_bounds = array<i64: 512, 256>}]} {
    %get3A = arith.constant 0 : index
    %get3A_0 = arith.constant 0 : index
    %get3A_1 = vector.load %arg1[%get3A, %get3A_0] : memref<512x32xi32, #tpu.memory_space<vmem>>, vector<512x32xi32>
    %iota3A = tpu.iota {dimensions = array<i32: 1>} : vector<512x512xi16>
    %convert_element_type3A = arith.trunci %get3A_1 : vector<512x32xi32> to vector<512x32xi16>
    %broadcast_in_dim3A = arith.constant 0 : i16
    %broadcast_in_dim3A_2 = vector.broadcast %broadcast_in_dim3A : i16 to vector<512x512xi16>
    %broadcast_in_dim3A_3 = arith.constant 0.000000e+00 : f32
    %broadcast_in_dim3A_4 = vector.broadcast %broadcast_in_dim3A_3 : f32 to vector<512x1xf32>
    %slice3A = vector.extract_strided_slice %convert_element_type3A {offsets = [0, 0], sizes = [512, 1], strides = [1, 1]} : vector<512x32xi16> to vector<512x1xi16>
    %eq3A = vector.broadcast %slice3A : vector<512x1xi16> to vector<512x512xi16>
    %eq3A_5 = arith.cmpi eq, %eq3A, %iota3A : vector<512x512xi16>
    %convert_element_type3A_6 = arith.extui %eq3A_5 : vector<512x512xi1> to vector<512x512xi16>
    %add3A = arith.addi %broadcast_in_dim3A_2, %convert_element_type3A_6 : vector<512x512xi16>
    %slice3A_7 = vector.extract_strided_slice %get3A_1 {offsets = [0, 0], sizes = [512, 1], strides = [1, 1]} : vector<512x32xi32> to vector<512x1xi32>
    %ne3A = arith.constant -1 : i32
    %ne3A_8 = vector.broadcast %ne3A : i32 to vector<512x1xi32>
    %ne3A_9 = arith.cmpi ne, %slice3A_7, %ne3A_8 : vector<512x1xi32>
    %convert_element_type3A_10 = arith.extui %ne3A_9 : vector<512x1xi1> to vector<512x1xi32>
    %convert_element_type3A_11 = arith.sitofp %convert_element_type3A_10 : vector<512x1xi32> to vector<512x1xf32>
    %add3A_12 = arith.addf %broadcast_in_dim3A_4, %convert_element_type3A_11 : vector<512x1xf32>
    %slice3A_13 = vector.extract_strided_slice %convert_element_type3A {offsets = [0, 1], sizes = [512, 1], strides = [1, 1]} : vector<512x32xi16> to vector<512x1xi16>
    %eq3A_14 = vector.broadcast %slice3A_13 : vector<512x1xi16> to vector<512x512xi16>
    %eq3A_15 = arith.cmpi eq, %eq3A_14, %iota3A : vector<512x512xi16>
    %convert_element_type3A_16 = arith.extui %eq3A_15 : vector<512x512xi1> to vector<512x512xi16>
    %add3A_17 = arith.addi %add3A, %convert_element_type3A_16 : vector<512x512xi16>
    %slice3A_18 = vector.extract_strided_slice %get3A_1 {offsets = [0, 1], sizes = [512, 1], strides = [1, 1]} : vector<512x32xi32> to vector<512x1xi32>
    %ne3A_19 = arith.constant -1 : i32
    %ne3A_20 = vector.broadcast %ne3A_19 : i32 to vector<512x1xi32>
    %ne3A_21 = arith.cmpi ne, %slice3A_18, %ne3A_20 : vector<512x1xi32>
    %convert_element_type3A_22 = arith.extui %ne3A_21 : vector<512x1xi1> to vector<512x1xi32>
    %convert_element_type3A_23 = arith.sitofp %convert_element_type3A_22 : vector<512x1xi32> to vector<512x1xf32>
    %add3A_24 = arith.addf %add3A_12, %convert_element_type3A_23 : vector<512x1xf32>
    %slice3A_25 = vector.extract_strided_slice %convert_element_type3A {offsets = [0, 2], sizes = [512, 1], strides = [1, 1]} : vector<512x32xi16> to vector<512x1xi16>
    %eq3A_26 = vector.broadcast %slice3A_25 : vector<512x1xi16> to vector<512x512xi16>
    %eq3A_27 = arith.cmpi eq, %eq3A_26, %iota3A : vector<512x512xi16>
    %convert_element_type3A_28 = arith.extui %eq3A_27 : vector<512x512xi1> to vector<512x512xi16>
    %add3A_29 = arith.addi %add3A_17, %convert_element_type3A_28 : vector<512x512xi16>
    %slice3A_30 = vector.extract_strided_slice %get3A_1 {offsets = [0, 2], sizes = [512, 1], strides = [1, 1]} : vector<512x32xi32> to vector<512x1xi32>
    %ne3A_31 = arith.constant -1 : i32
    %ne3A_32 = vector.broadcast %ne3A_31 : i32 to vector<512x1xi32>
    %ne3A_33 = arith.cmpi ne, %slice3A_30, %ne3A_32 : vector<512x1xi32>
    %convert_element_type3A_34 = arith.extui %ne3A_33 : vector<512x1xi1> to vector<512x1xi32>
    %convert_element_type3A_35 = arith.sitofp %convert_element_type3A_34 : vector<512x1xi32> to vector<512x1xf32>
    %add3A_36 = arith.addf %add3A_24, %convert_element_type3A_35 : vector<512x1xf32>
    %slice3A_37 = vector.extract_strided_slice %convert_element_type3A {offsets = [0, 3], sizes = [512, 1], strides = [1, 1]} : vector<512x32xi16> to vector<512x1xi16>
    %eq3A_38 = vector.broadcast %slice3A_37 : vector<512x1xi16> to vector<512x512xi16>
    %eq3A_39 = arith.cmpi eq, %eq3A_38, %iota3A : vector<512x512xi16>
    %convert_element_type3A_40 = arith.extui %eq3A_39 : vector<512x512xi1> to vector<512x512xi16>
    %add3A_41 = arith.addi %add3A_29, %convert_element_type3A_40 : vector<512x512xi16>
    %slice3A_42 = vector.extract_strided_slice %get3A_1 {offsets = [0, 3], sizes = [512, 1], strides = [1, 1]} : vector<512x32xi32> to vector<512x1xi32>
    %ne3A_43 = arith.constant -1 : i32
    %ne3A_44 = vector.broadcast %ne3A_43 : i32 to vector<512x1xi32>
    %ne3A_45 = arith.cmpi ne, %slice3A_42, %ne3A_44 : vector<512x1xi32>
    %convert_element_type3A_46 = arith.extui %ne3A_45 : vector<512x1xi1> to vector<512x1xi32>
    %convert_element_type3A_47 = arith.sitofp %convert_element_type3A_46 : vector<512x1xi32> to vector<512x1xf32>
    %add3A_48 = arith.addf %add3A_36, %convert_element_type3A_47 : vector<512x1xf32>
    %slice3A_49 = vector.extract_strided_slice %convert_element_type3A {offsets = [0, 4], sizes = [512, 1], strides = [1, 1]} : vector<512x32xi16> to vector<512x1xi16>
    %eq3A_50 = vector.broadcast %slice3A_49 : vector<512x1xi16> to vector<512x512xi16>
    %eq3A_51 = arith.cmpi eq, %eq3A_50, %iota3A : vector<512x512xi16>
    %convert_element_type3A_52 = arith.extui %eq3A_51 : vector<512x512xi1> to vector<512x512xi16>
    %add3A_53 = arith.addi %add3A_41, %convert_element_type3A_52 : vector<512x512xi16>
    %slice3A_54 = vector.extract_strided_slice %get3A_1 {offsets = [0, 4], sizes = [512, 1], strides = [1, 1]} : vector<512x32xi32> to vector<512x1xi32>
    %ne3A_55 = arith.constant -1 : i32
    %ne3A_56 = vector.broadcast %ne3A_55 : i32 to vector<512x1xi32>
    %ne3A_57 = arith.cmpi ne, %slice3A_54, %ne3A_56 : vector<512x1xi32>
    %convert_element_type3A_58 = arith.extui %ne3A_57 : vector<512x1xi1> to vector<512x1xi32>
    %convert_element_type3A_59 = arith.sitofp %convert_element_type3A_58 : vector<512x1xi32> to vector<512x1xf32>
    %add3A_60 = arith.addf %add3A_48, %convert_element_type3A_59 : vector<512x1xf32>
    %slice3A_61 = vector.extract_strided_slice %convert_element_type3A {offsets = [0, 5], sizes = [512, 1], strides = [1, 1]} : vector<512x32xi16> to vector<512x1xi16>
    %eq3A_62 = vector.broadcast %slice3A_61 : vector<512x1xi16> to vector<512x512xi16>
    %eq3A_63 = arith.cmpi eq, %eq3A_62, %iota3A : vector<512x512xi16>
    %convert_element_type3A_64 = arith.extui %eq3A_63 : vector<512x512xi1> to vector<512x512xi16>
    %add3A_65 = arith.addi %add3A_53, %convert_element_type3A_64 : vector<512x512xi16>
    %slice3A_66 = vector.extract_strided_slice %get3A_1 {offsets = [0, 5], sizes = [512, 1], strides = [1, 1]} : vector<512x32xi32> to vector<512x1xi32>
    %ne3A_67 = arith.constant -1 : i32
    %ne3A_68 = vector.broadcast %ne3A_67 : i32 to vector<512x1xi32>
    %ne3A_69 = arith.cmpi ne, %slice3A_66, %ne3A_68 : vector<512x1xi32>
    %convert_element_type3A_70 = arith.extui %ne3A_69 : vector<512x1xi1> to vector<512x1xi32>
    %convert_element_type3A_71 = arith.sitofp %convert_element_type3A_70 : vector<512x1xi32> to vector<512x1xf32>
    %add3A_72 = arith.addf %add3A_60, %convert_element_type3A_71 : vector<512x1xf32>
    %slice3A_73 = vector.extract_strided_slice %convert_element_type3A {offsets = [0, 6], sizes = [512, 1], strides = [1, 1]} : vector<512x32xi16> to vector<512x1xi16>
    %eq3A_74 = vector.broadcast %slice3A_73 : vector<512x1xi16> to vector<512x512xi16>
    %eq3A_75 = arith.cmpi eq, %eq3A_74, %iota3A : vector<512x512xi16>
    %convert_element_type3A_76 = arith.extui %eq3A_75 : vector<512x512xi1> to vector<512x512xi16>
    %add3A_77 = arith.addi %add3A_65, %convert_element_type3A_76 : vector<512x512xi16>
    %slice3A_78 = vector.extract_strided_slice %get3A_1 {offsets = [0, 6], sizes = [512, 1], strides = [1, 1]} : vector<512x32xi32> to vector<512x1xi32>
    %ne3A_79 = arith.constant -1 : i32
    %ne3A_80 = vector.broadcast %ne3A_79 : i32 to vector<512x1xi32>
    %ne3A_81 = arith.cmpi ne, %slice3A_78, %ne3A_80 : vector<512x1xi32>
    %convert_element_type3A_82 = arith.extui %ne3A_81 : vector<512x1xi1> to vector<512x1xi32>
    %convert_element_type3A_83 = arith.sitofp %convert_element_type3A_82 : vector<512x1xi32> to vector<512x1xf32>
    %add3A_84 = arith.addf %add3A_72, %convert_element_type3A_83 : vector<512x1xf32>
    %slice3A_85 = vector.extract_strided_slice %convert_element_type3A {offsets = [0, 7], sizes = [512, 1], strides = [1, 1]} : vector<512x32xi16> to vector<512x1xi16>
    %eq3A_86 = vector.broadcast %slice3A_85 : vector<512x1xi16> to vector<512x512xi16>
    %eq3A_87 = arith.cmpi eq, %eq3A_86, %iota3A : vector<512x512xi16>
    %convert_element_type3A_88 = arith.extui %eq3A_87 : vector<512x512xi1> to vector<512x512xi16>
    %add3A_89 = arith.addi %add3A_77, %convert_element_type3A_88 : vector<512x512xi16>
    %slice3A_90 = vector.extract_strided_slice %get3A_1 {offsets = [0, 7], sizes = [512, 1], strides = [1, 1]} : vector<512x32xi32> to vector<512x1xi32>
    %ne3A_91 = arith.constant -1 : i32
    %ne3A_92 = vector.broadcast %ne3A_91 : i32 to vector<512x1xi32>
    %ne3A_93 = arith.cmpi ne, %slice3A_90, %ne3A_92 : vector<512x1xi32>
    %convert_element_type3A_94 = arith.extui %ne3A_93 : vector<512x1xi1> to vector<512x1xi32>
    %convert_element_type3A_95 = arith.sitofp %convert_element_type3A_94 : vector<512x1xi32> to vector<512x1xf32>
    %add3A_96 = arith.addf %add3A_84, %convert_element_type3A_95 : vector<512x1xf32>
    %slice3A_97 = vector.extract_strided_slice %convert_element_type3A {offsets = [0, 8], sizes = [512, 1], strides = [1, 1]} : vector<512x32xi16> to vector<512x1xi16>
    %eq3A_98 = vector.broadcast %slice3A_97 : vector<512x1xi16> to vector<512x512xi16>
    %eq3A_99 = arith.cmpi eq, %eq3A_98, %iota3A : vector<512x512xi16>
    %convert_element_type3A_100 = arith.extui %eq3A_99 : vector<512x512xi1> to vector<512x512xi16>
    %add3A_101 = arith.addi %add3A_89, %convert_element_type3A_100 : vector<512x512xi16>
    %slice3A_102 = vector.extract_strided_slice %get3A_1 {offsets = [0, 8], sizes = [512, 1], strides = [1, 1]} : vector<512x32xi32> to vector<512x1xi32>
    %ne3A_103 = arith.constant -1 : i32
    %ne3A_104 = vector.broadcast %ne3A_103 : i32 to vector<512x1xi32>
    %ne3A_105 = arith.cmpi ne, %slice3A_102, %ne3A_104 : vector<512x1xi32>
    %convert_element_type3A_106 = arith.extui %ne3A_105 : vector<512x1xi1> to vector<512x1xi32>
    %convert_element_type3A_107 = arith.sitofp %convert_element_type3A_106 : vector<512x1xi32> to vector<512x1xf32>
    %add3A_108 = arith.addf %add3A_96, %convert_element_type3A_107 : vector<512x1xf32>
    %slice3A_109 = vector.extract_strided_slice %convert_element_type3A {offsets = [0, 9], sizes = [512, 1], strides = [1, 1]} : vector<512x32xi16> to vector<512x1xi16>
    %eq3A_110 = vector.broadcast %slice3A_109 : vector<512x1xi16> to vector<512x512xi16>
    %eq3A_111 = arith.cmpi eq, %eq3A_110, %iota3A : vector<512x512xi16>
    %convert_element_type3A_112 = arith.extui %eq3A_111 : vector<512x512xi1> to vector<512x512xi16>
    %add3A_113 = arith.addi %add3A_101, %convert_element_type3A_112 : vector<512x512xi16>
    %slice3A_114 = vector.extract_strided_slice %get3A_1 {offsets = [0, 9], sizes = [512, 1], strides = [1, 1]} : vector<512x32xi32> to vector<512x1xi32>
    %ne3A_115 = arith.constant -1 : i32
    %ne3A_116 = vector.broadcast %ne3A_115 : i32 to vector<512x1xi32>
    %ne3A_117 = arith.cmpi ne, %slice3A_114, %ne3A_116 : vector<512x1xi32>
    %convert_element_type3A_118 = arith.extui %ne3A_117 : vector<512x1xi1> to vector<512x1xi32>
    %convert_element_type3A_119 = arith.sitofp %convert_element_type3A_118 : vector<512x1xi32> to vector<512x1xf32>
    %add3A_120 = arith.addf %add3A_108, %convert_element_type3A_119 : vector<512x1xf32>
    %slice3A_121 = vector.extract_strided_slice %convert_element_type3A {offsets = [0, 10], sizes = [512, 1], strides = [1, 1]} : vector<512x32xi16> to vector<512x1xi16>
    %eq3A_122 = vector.broadcast %slice3A_121 : vector<512x1xi16> to vector<512x512xi16>
    %eq3A_123 = arith.cmpi eq, %eq3A_122, %iota3A : vector<512x512xi16>
    %convert_element_type3A_124 = arith.extui %eq3A_123 : vector<512x512xi1> to vector<512x512xi16>
    %add3A_125 = arith.addi %add3A_113, %convert_element_type3A_124 : vector<512x512xi16>
    %slice3A_126 = vector.extract_strided_slice %get3A_1 {offsets = [0, 10], sizes = [512, 1], strides = [1, 1]} : vector<512x32xi32> to vector<512x1xi32>
    %ne3A_127 = arith.constant -1 : i32
    %ne3A_128 = vector.broadcast %ne3A_127 : i32 to vector<512x1xi32>
    %ne3A_129 = arith.cmpi ne, %slice3A_126, %ne3A_128 : vector<512x1xi32>
    %convert_element_type3A_130 = arith.extui %ne3A_129 : vector<512x1xi1> to vector<512x1xi32>
    %convert_element_type3A_131 = arith.sitofp %convert_element_type3A_130 : vector<512x1xi32> to vector<512x1xf32>
    %add3A_132 = arith.addf %add3A_120, %convert_element_type3A_131 : vector<512x1xf32>
    %slice3A_133 = vector.extract_strided_slice %convert_element_type3A {offsets = [0, 11], sizes = [512, 1], strides = [1, 1]} : vector<512x32xi16> to vector<512x1xi16>
    %eq3A_134 = vector.broadcast %slice3A_133 : vector<512x1xi16> to vector<512x512xi16>
    %eq3A_135 = arith.cmpi eq, %eq3A_134, %iota3A : vector<512x512xi16>
    %convert_element_type3A_136 = arith.extui %eq3A_135 : vector<512x512xi1> to vector<512x512xi16>
    %add3A_137 = arith.addi %add3A_125, %convert_element_type3A_136 : vector<512x512xi16>
    %slice3A_138 = vector.extract_strided_slice %get3A_1 {offsets = [0, 11], sizes = [512, 1], strides = [1, 1]} : vector<512x32xi32> to vector<512x1xi32>
    %ne3A_139 = arith.constant -1 : i32
    %ne3A_140 = vector.broadcast %ne3A_139 : i32 to vector<512x1xi32>
    %ne3A_141 = arith.cmpi ne, %slice3A_138, %ne3A_140 : vector<512x1xi32>
    %convert_element_type3A_142 = arith.extui %ne3A_141 : vector<512x1xi1> to vector<512x1xi32>
    %convert_element_type3A_143 = arith.sitofp %convert_element_type3A_142 : vector<512x1xi32> to vector<512x1xf32>
    %add3A_144 = arith.addf %add3A_132, %convert_element_type3A_143 : vector<512x1xf32>
    %slice3A_145 = vector.extract_strided_slice %convert_element_type3A {offsets = [0, 12], sizes = [512, 1], strides = [1, 1]} : vector<512x32xi16> to vector<512x1xi16>
    %eq3A_146 = vector.broadcast %slice3A_145 : vector<512x1xi16> to vector<512x512xi16>
    %eq3A_147 = arith.cmpi eq, %eq3A_146, %iota3A : vector<512x512xi16>
    %convert_element_type3A_148 = arith.extui %eq3A_147 : vector<512x512xi1> to vector<512x512xi16>
    %add3A_149 = arith.addi %add3A_137, %convert_element_type3A_148 : vector<512x512xi16>
    %slice3A_150 = vector.extract_strided_slice %get3A_1 {offsets = [0, 12], sizes = [512, 1], strides = [1, 1]} : vector<512x32xi32> to vector<512x1xi32>
    %ne3A_151 = arith.constant -1 : i32
    %ne3A_152 = vector.broadcast %ne3A_151 : i32 to vector<512x1xi32>
    %ne3A_153 = arith.cmpi ne, %slice3A_150, %ne3A_152 : vector<512x1xi32>
    %convert_element_type3A_154 = arith.extui %ne3A_153 : vector<512x1xi1> to vector<512x1xi32>
    %convert_element_type3A_155 = arith.sitofp %convert_element_type3A_154 : vector<512x1xi32> to vector<512x1xf32>
    %add3A_156 = arith.addf %add3A_144, %convert_element_type3A_155 : vector<512x1xf32>
    %slice3A_157 = vector.extract_strided_slice %convert_element_type3A {offsets = [0, 13], sizes = [512, 1], strides = [1, 1]} : vector<512x32xi16> to vector<512x1xi16>
    %eq3A_158 = vector.broadcast %slice3A_157 : vector<512x1xi16> to vector<512x512xi16>
    %eq3A_159 = arith.cmpi eq, %eq3A_158, %iota3A : vector<512x512xi16>
    %convert_element_type3A_160 = arith.extui %eq3A_159 : vector<512x512xi1> to vector<512x512xi16>
    %add3A_161 = arith.addi %add3A_149, %convert_element_type3A_160 : vector<512x512xi16>
    %slice3A_162 = vector.extract_strided_slice %get3A_1 {offsets = [0, 13], sizes = [512, 1], strides = [1, 1]} : vector<512x32xi32> to vector<512x1xi32>
    %ne3A_163 = arith.constant -1 : i32
    %ne3A_164 = vector.broadcast %ne3A_163 : i32 to vector<512x1xi32>
    %ne3A_165 = arith.cmpi ne, %slice3A_162, %ne3A_164 : vector<512x1xi32>
    %convert_element_type3A_166 = arith.extui %ne3A_165 : vector<512x1xi1> to vector<512x1xi32>
    %convert_element_type3A_167 = arith.sitofp %convert_element_type3A_166 : vector<512x1xi32> to vector<512x1xf32>
    %add3A_168 = arith.addf %add3A_156, %convert_element_type3A_167 : vector<512x1xf32>
    %slice3A_169 = vector.extract_strided_slice %convert_element_type3A {offsets = [0, 14], sizes = [512, 1], strides = [1, 1]} : vector<512x32xi16> to vector<512x1xi16>
    %eq3A_170 = vector.broadcast %slice3A_169 : vector<512x1xi16> to vector<512x512xi16>
    %eq3A_171 = arith.cmpi eq, %eq3A_170, %iota3A : vector<512x512xi16>
    %convert_element_type3A_172 = arith.extui %eq3A_171 : vector<512x512xi1> to vector<512x512xi16>
    %add3A_173 = arith.addi %add3A_161, %convert_element_type3A_172 : vector<512x512xi16>
    %slice3A_174 = vector.extract_strided_slice %get3A_1 {offsets = [0, 14], sizes = [512, 1], strides = [1, 1]} : vector<512x32xi32> to vector<512x1xi32>
    %ne3A_175 = arith.constant -1 : i32
    %ne3A_176 = vector.broadcast %ne3A_175 : i32 to vector<512x1xi32>
    %ne3A_177 = arith.cmpi ne, %slice3A_174, %ne3A_176 : vector<512x1xi32>
    %convert_element_type3A_178 = arith.extui %ne3A_177 : vector<512x1xi1> to vector<512x1xi32>
    %convert_element_type3A_179 = arith.sitofp %convert_element_type3A_178 : vector<512x1xi32> to vector<512x1xf32>
    %add3A_180 = arith.addf %add3A_168, %convert_element_type3A_179 : vector<512x1xf32>
    %slice3A_181 = vector.extract_strided_slice %convert_element_type3A {offsets = [0, 15], sizes = [512, 1], strides = [1, 1]} : vector<512x32xi16> to vector<512x1xi16>
    %eq3A_182 = vector.broadcast %slice3A_181 : vector<512x1xi16> to vector<512x512xi16>
    %eq3A_183 = arith.cmpi eq, %eq3A_182, %iota3A : vector<512x512xi16>
    %convert_element_type3A_184 = arith.extui %eq3A_183 : vector<512x512xi1> to vector<512x512xi16>
    %add3A_185 = arith.addi %add3A_173, %convert_element_type3A_184 : vector<512x512xi16>
    %slice3A_186 = vector.extract_strided_slice %get3A_1 {offsets = [0, 15], sizes = [512, 1], strides = [1, 1]} : vector<512x32xi32> to vector<512x1xi32>
    %ne3A_187 = arith.constant -1 : i32
    %ne3A_188 = vector.broadcast %ne3A_187 : i32 to vector<512x1xi32>
    %ne3A_189 = arith.cmpi ne, %slice3A_186, %ne3A_188 : vector<512x1xi32>
    %convert_element_type3A_190 = arith.extui %ne3A_189 : vector<512x1xi1> to vector<512x1xi32>
    %convert_element_type3A_191 = arith.sitofp %convert_element_type3A_190 : vector<512x1xi32> to vector<512x1xf32>
    %add3A_192 = arith.addf %add3A_180, %convert_element_type3A_191 : vector<512x1xf32>
    %convert_element_type3A_193 = arith.sitofp %add3A_185 : vector<512x512xi16> to vector<512x512xbf16>
    %get3A_194 = arith.constant 0 : index
    %get3A_195 = arith.constant 0 : index
    %get3A_196 = vector.load %arg3[%get3A_194, %get3A_195] : memref<512x256xbf16, #tpu.memory_space<vmem>>, vector<512x256xbf16>
    %dot_general3A = arith.constant dense<0.000000e+00> : vector<512x256xf32>
    %dot_general3A_197 = tpu.matmul %convert_element_type3A_193, %get3A_196, %dot_general3A {dimension_numbers = #tpu.dot_dimension_numbers<[1], [0], [0], [1], [0, 0, 1, 1], [], []>, transpose_lhs_hint = false} : vector<512x512xbf16>, vector<512x256xbf16>, vector<512x256xf32> -> vector<512x256xf32>
    %max3A = arith.constant 1.000000e-07 : f32
    %max3A_198 = vector.broadcast %max3A : f32 to vector<512x1xf32>
    %max3A_199 = arith.maximumf %add3A_192, %max3A_198 : vector<512x1xf32>
    %div3A = vector.broadcast %max3A_199 : vector<512x1xf32> to vector<512x256xf32>
    %div3A_200 = arith.divf %dot_general3A_197, %div3A : vector<512x256xf32>
    %slice3A_201 = vector.extract_strided_slice %get3A_1 {offsets = [0, 16], sizes = [512, 1], strides = [1, 1]} : vector<512x32xi32> to vector<512x1xi32>
    %convert_element_type3A_202 = arith.sitofp %slice3A_201 : vector<512x1xi32> to vector<512x1xf32>
    %get3A_203 = arith.constant 0 : index
    %get3A_204 = arith.constant 0 : index
    %get3A_205 = vector.load %arg4[%get3A_203, %get3A_204] : memref<2x256xf32, #tpu.memory_space<vmem>>, vector<1x256xf32>
    %get3A_206 = arith.constant 1 : index
    %get3A_207 = arith.constant 0 : index
    %get3A_208 = vector.load %arg4[%get3A_206, %get3A_207] : memref<2x256xf32, #tpu.memory_space<vmem>>, vector<1x256xf32>
    %get3A_209 = arith.constant 0 : index
    %get3A_210 = arith.constant 0 : index
    %get3A_211 = vector.load %arg2[%get3A_209, %get3A_210] : memref<512x256xf32, #tpu.memory_space<vmem>>, vector<512x256xf32>
    %add3A_212 = arith.addf %get3A_211, %div3A_200 : vector<512x256xf32>
    %add3A_213 = vector.broadcast %get3A_205 : vector<1x256xf32> to vector<512x256xf32>
    %add3A_214 = arith.addf %add3A_212, %add3A_213 : vector<512x256xf32>
    %sub3A = arith.subf %get3A_208, %get3A_205 : vector<1x256xf32>
    %mul3A = vector.broadcast %convert_element_type3A_202 : vector<512x1xf32> to vector<512x256xf32>
    %mul3A_215 = vector.broadcast %sub3A : vector<1x256xf32> to vector<512x256xf32>
    %mul3A_216 = arith.mulf %mul3A, %mul3A_215 : vector<512x256xf32>
    %add3A_217 = arith.addf %add3A_214, %mul3A_216 : vector<512x256xf32>
    %reduce_sum3A = arith.constant dense<0.000000e+00> : vector<512xf32>
    %reduce_sum3A_218 = vector.multi_reduction <add>, %add3A_217, %reduce_sum3A [1] : vector<512x256xf32> to vector<512xf32>
    %broadcast_in_dim3A_219 = vector.shape_cast %reduce_sum3A_218 : vector<512xf32> to vector<512x1xf32>
    %div3A_220 = arith.constant 2.560000e+02 : f32
    %div3A_221 = vector.broadcast %div3A_220 : f32 to vector<512x1xf32>
    %div3A_222 = arith.divf %broadcast_in_dim3A_219, %div3A_221 : vector<512x1xf32>
    %sub3A_223 = vector.broadcast %div3A_222 : vector<512x1xf32> to vector<512x256xf32>
    %sub3A_224 = arith.subf %add3A_217, %sub3A_223 : vector<512x256xf32>
    %mul3A_225 = arith.mulf %sub3A_224, %sub3A_224 : vector<512x256xf32>
    %reduce_sum3A_226 = arith.constant dense<0.000000e+00> : vector<512xf32>
    %reduce_sum3A_227 = vector.multi_reduction <add>, %mul3A_225, %reduce_sum3A_226 [1] : vector<512x256xf32> to vector<512xf32>
    %broadcast_in_dim3A_228 = vector.shape_cast %reduce_sum3A_227 : vector<512xf32> to vector<512x1xf32>
    %div3A_229 = arith.constant 2.560000e+02 : f32
    %div3A_230 = vector.broadcast %div3A_229 : f32 to vector<512x1xf32>
    %div3A_231 = arith.divf %broadcast_in_dim3A_228, %div3A_230 : vector<512x1xf32>
    %add3A_232 = arith.constant 9.99999996E-13 : f32
    %add3A_233 = vector.broadcast %add3A_232 : f32 to vector<512x1xf32>
    %add3A_234 = arith.addf %div3A_231, %add3A_233 : vector<512x1xf32>
    %rsqrt3A = math.rsqrt %add3A_234 : vector<512x1xf32>
    %mul3A_235 = vector.broadcast %rsqrt3A : vector<512x1xf32> to vector<512x256xf32>
    %mul3A_236 = arith.mulf %sub3A_224, %mul3A_235 : vector<512x256xf32>
    %get3A_237 = arith.constant 0 : index
    %get3A_238 = arith.constant 0 : index
    %get3A_239 = vector.load %arg5[%get3A_237, %get3A_238] : memref<1x256xf32, #tpu.memory_space<vmem>>, vector<1x256xf32>
    %mul3A_240 = vector.broadcast %get3A_239 : vector<1x256xf32> to vector<512x256xf32>
    %mul3A_241 = arith.mulf %mul3A_236, %mul3A_240 : vector<512x256xf32>
    %get3A_242 = arith.constant 0 : index
    %get3A_243 = arith.constant 0 : index
    %get3A_244 = vector.load %arg6[%get3A_242, %get3A_243] : memref<1x256xf32, #tpu.memory_space<vmem>>, vector<1x256xf32>
    %add3A_245 = vector.broadcast %get3A_244 : vector<1x256xf32> to vector<512x256xf32>
    %add3A_246 = arith.addf %mul3A_241, %add3A_245 : vector<512x256xf32>
    %swap3A = arith.constant 0 : index
    %swap3A_247 = arith.constant 0 : index
    %swap3A_248 = vector.load %arg7[%swap3A, %swap3A_247] : memref<512x256xf32, #tpu.memory_space<vmem>>, vector<512x256xf32>
    tpu.vector_store %arg7[%swap3A, %swap3A_247], %add3A_246 {strides = array<i32>} : memref<512x256xf32, #tpu.memory_space<vmem>>, vector<512x256xf32>,
    return
  }
  func.func @transform_0(%arg0: i32) -> (i32, i32) {
    %c0_i32 = arith.constant 0 : i32
    %c0_i32_0 = arith.constant 0 : i32
    return %arg0, %c0_i32 : i32, i32
  }
  func.func @transform_1(%arg0: i32) -> (i32, i32) {
    %c0_i32 = arith.constant 0 : i32
    %c0_i32_0 = arith.constant 0 : i32
    return %arg0, %c0_i32 : i32, i32
  }
  func.func @transform_2(%arg0: i32) -> (i32, i32) {
    %c0_i32 = arith.constant 0 : i32
    %c0_i32_0 = arith.constant 0 : i32
    %c0_i32_1 = arith.constant 0 : i32
    return %c0_i32, %c0_i32_0 : i32, i32
  }
  func.func @transform_3(%arg0: i32) -> (i32, i32) {
    %c0_i32 = arith.constant 0 : i32
    %c0_i32_0 = arith.constant 0 : i32
    %c0_i32_1 = arith.constant 0 : i32
    return %c0_i32, %c0_i32_0 : i32, i32
  }
  func.func @transform_4(%arg0: i32) -> (i32, i32) {
    %c0_i32 = arith.constant 0 : i32
    %c0_i32_0 = arith.constant 0 : i32
    %c0_i32_1 = arith.constant 0 : i32
    return %c0_i32, %c0_i32_0 : i32, i32
  }
  func.func @transform_5(%arg0: i32) -> (i32, i32) {
    %c0_i32 = arith.constant 0 : i32
    %c0_i32_0 = arith.constant 0 : i32
    %c0_i32_1 = arith.constant 0 : i32
    return %c0_i32, %c0_i32_0 : i32, i32
  }
  func.func @transform_6(%arg0: i32) -> (i32, i32) {
    %c0_i32 = arith.constant 0 : i32
    %c0_i32_0 = arith.constant 0 : i32
    return %arg0, %c0_i32 : i32, i32
  }
}

</mosaic_0001>

<sc_bundles>
// kernel: kernel.4.cloned.1.call-start
scs
__scs_entry_jumppad:
0x0: {  	(pc) =	sbr.rel $0x88, $3  }
0x1: {  	(tag) =	ssettag $0x0;
	lr =	simm.s32 $0x1  }
0x2: {  	[smem:$0x3F99] =	sst lr;
	_ =	strace $0xD0000000  }
0x3: {  	_ = 	snop  }
0x4: {  	_ = 	snop  }
0x5: {  	_ = 	snop  }
0x6: {  	_ = 	snop  }
0x7: {  	_ = 	snop  }
__scs_overlays_trampoline_lowered:
0x8: {  	[smem:$0x3FA8] =	sst s0  }
0x9: {  	[smem:$0x3FA9] =	sst s1  }
0xa: {  	[smem:$0x3FAA] =	sst s2  }
0xb: {  	[smem:$0x3FAB] =	sst s3  }
0xc: {  	[smem:$0x3FAC] =	sst s4  }
0xd: {  	[smem:$0x3FAD] =	sst s5  }
0xe: {  	[smem:$0x3FAE] =	sst s6  }
0xf: {  	[smem:$0x3FAF] =	sst s7  }
0x10: {  	[smem:$0x3FB0] =	sst s8  }
0x11: {  	[smem:$0x3FB1] =	sst s9;
	s0 =	simm.s32 @!p0 $0x0  }
0x12: {  	s1 =	sld [smem:$0x3F97];
	s0 =	simm.s32 @p0 $0x1  }
0x13: {  	[smem:$0x3FB2] =	sst s0;
	s0 =	simm.s32 @!p1 $0x0  }
0x14: {  	s2 =	sld [smem:$0x3F96];
	s0 =	simm.s32 @p1 $0x1  }
0x15: {  	[smem:$0x3FB3] =	sst s0;
	s0 =	simm.s32 @!p2 $0x0  }
0x16: {  	s3 =	sld [smem:$0x3FDB];
	s0 =	simm.s32 @p2 $0x1  }
0x17: {  	s4 =	simm.s32 $0x1BF5;
	[smem:$0x3FB5] =	sst s0  }
0x18: {  	s0 =	sld [smem:$0x3F98];
	_ =	swait.ge [sflag:s4], $0x0  }
0x19: {  	s7 =	sld [smem:$0x3F99]  }
0x1a: {  	s8 =	sadd.s32 $0xFFFFE003, lr  }
0x1b: {  	s9 =	sadd.s32 $0xFFFFFEF7, lr;
	s5 =	simm.s32 $0xFFFFFFFF;
	p2 =	slt.u32 s8, $0xFFFFF086  }
0x1c: {  	p1 =	slt.u32 s9, $0xF7A;
	s5 =	simm.s32 @!p2 $0x0  }
0x1d: {  	s5 =	simm.s32 @p1 $0x1;
	p0 =	seq.s32 s7, s2  }
0x1e: {  	s7 =	smul.u32 @!p0 $0xF7A, s2;
	p2 =	seq.s32 @!p0 s5, $0x0  }
0x1f: {  	s9 =	smul.u32 $0xF7A, s1;
	s8 =	simm.s32 @!p0 $0x1BF5;
	p2 =	por !p2, p0  }
0x20: {  	[sflag:s8] =	ssyncset.s32 @!p0 $0xFFFFF086;
	s6 =	sadd.s32 @!p0 s3, s7;
	s7 =	simm.s32 @!p0 $0x108  }
0x21: {  	s3 =	sadd.s32 s3, s9;
	s6 =	sadd.s32 @!p0 $0x88, s6;
	s7 =	simm.s32 @p2 $0x1082  }
0x22: {  	[simem:s7], [sflag:s8] =	dma.local @!p0 [hbm:s6], $0xF7A  }
0x23: {  	s9 =	sor.u32 $0xD0000000, s2;
	s6 =	simm.s32 $0x108;
	_ =	swait.ge @!p0 [sflag:s8], $0x0  }
0x24: {  	s3 =	sadd.s32 $0x88, s3;
	s6 =	simm.s32 @!p1 $0x1082;
	[sflag:s4] =	ssyncset.s32 $0xFFFFF086  }
0x25: {  	[simem:s6], [sflag:s4] =	dma.local [hbm:s3], $0xF7A  }
0x26: {  	[smem:$0x3F99] =	sst s1;
	(tag) =	ssettag s2;
	_ =	strace s9  }
0x27: {  	s1 =	sld [smem:$0x3FA9]  }
0x28: {  	s2 =	sld [smem:$0x3FAA]  }
0x29: {  	s4 =	sld [smem:$0x3FAC]  }
0x2a: {  	p0 =	seq.s32 s5, $0x0;
	s5 =	sld [smem:$0x3FAD]  }
0x2b: {  	s6 =	sld [smem:$0x3FAE]  }
0x2c: {  	s7 =	sld [smem:$0x3FAF]  }
0x2d: {  	s3 =	simm.s32 $0x108;
	s8 =	sld [smem:$0x3FB0]  }
0x2e: {  	s3 =	simm.s32 @!p0 $0x1082;
	s9 =	sld [smem:$0x3FB1]  }
0x2f: {  	lr =	sadd.s32 s0, s3;
	s0 =	sld [smem:$0x3FA8]  }
0x30: {  	s3 =	sld [smem:$0x3FAB]  }
0x31: {  	[smem:$0x3FB4] =	sst s10  }
0x32: {  	s10 =	sld [smem:$0x3FB2];
	_ =	sdelay $0x3  }
0x33: {  	p0 =	seq.s32 s10, $0x1;
	s10 =	sld [smem:$0x3FB4];
	_ =	sdelay $0x3  }
0x34: {  	[smem:$0x3FB4] =	sst s10  }
0x35: {  	s10 =	sld [smem:$0x3FB3];
	_ =	sdelay $0x3  }
0x36: {  	p1 =	seq.s32 s10, $0x1;
	s10 =	sld [smem:$0x3FB4];
	_ =	sdelay $0x3  }
0x37: {  	[smem:$0x3FB4] =	sst s10  }
0x38: {  	s10 =	sld [smem:$0x3FB5]  }
0x39: {  	_ = 	snop;
	(pc) =	sbr.ind lr, $3  }
0x3a: {  	_ = 	snop  }
0x3b: {  	_ = 	snop  }
0x3c: {  	p2 =	seq.s32 s10, $0x1;
	s10 =	sld [smem:$0x3FB4]  }
0x3d: {  	_ =	shalt  }
0x3e: {  	_ =	shalt  }
0x3f: {  	_ =	shalt  }
0x40: {  	_ =	shalt  }
0x41: {  	_ =	shalt  }
0x42: {  	_ =	shalt  }
0x43: {  	_ =	shalt  }
0x44: {  	_ =	shalt  }
0x45: {  	_ =	shalt  }
0x46: {  	_ =	shalt  }
0x47: {  	_ =	shalt  }
0x48: {  	_ =	shalt  }
0x49: {  	_ =	shalt  }
0x4a: {  	_ =	shalt  }
0x4b: {  	_ =	shalt  }
0x4c: {  	_ =	shalt  }
0x4d: {  	_ =	shalt  }
0x4e: {  	_ =	shalt  }
0x4f: {  	_ =	shalt  }
0x50: {  	_ =	shalt  }
0x51: {  	_ =	shalt  }
0x52: {  	_ =	shalt  }
0x53: {  	_ =	shalt  }
0x54: {  	_ =	shalt  }
0x55: {  	_ =	shalt  }
0x56: {  	_ =	shalt  }
0x57: {  	_ =	shalt  }
0x58: {  	_ =	shalt  }
0x59: {  	_ =	shalt  }
0x5a: {  	_ =	shalt  }
0x5b: {  	_ =	shalt  }
0x5c: {  	_ =	shalt  }
0x5d: {  	_ =	shalt  }
0x5e: {  	_ =	shalt  }
0x5f: {  	_ =	shalt  }
0x60: {  	_ =	shalt  }
0x61: {  	_ =	shalt  }
0x62: {  	_ =	shalt  }
0x63: {  	_ =	shalt  }
0x64: {  	_ =	shalt  }
0x65: {  	_ =	shalt  }
0x66: {  	_ =	shalt  }
0x67: {  	_ =	shalt  }
0x68: {  	_ =	shalt  }
0x69: {  	_ =	shalt  }
0x6a: {  	_ =	shalt  }
0x6b: {  	_ =	shalt  }
0x6c: {  	_ =	shalt  }
0x6d: {  	_ =	shalt  }
0x6e: {  	_ =	shalt  }
0x6f: {  	_ =	shalt  }
0x70: {  	_ =	shalt  }
0x71: {  	_ =	shalt  }
0x72: {  	_ =	shalt  }
0x73: {  	_ =	shalt  }
0x74: {  	_ =	shalt  }
0x75: {  	_ =	shalt  }
0x76: {  	_ =	shalt  }
0x77: {  	_ =	shalt  }
0x78: {  	_ =	shalt  }
0x79: {  	_ =	shalt  }
0x7a: {  	_ =	shalt  }
0x7b: {  	_ =	shalt  }
0x7c: {  	_ =	shalt  }
0x7d: {  	_ =	shalt  }
0x7e: {  	_ =	shalt  }
0x7f: {  	_ =	shalt  }
0x80: {  	_ =	shalt  }
0x81: {  	_ =	shalt  }
0x82: {  	_ =	shalt  }
0x83: {  	_ =	shalt  }
0x84: {  	_ =	shalt  }
0x85: {  	_ =	shalt  }
0x86: {  	_ =	shalt  }
0x87: {  	_ =	shalt  }
.Lfunc_end0:
.L_simem_size_0:
called_computation_lowered:
.L_overlay_start_0:
0x88: {  	s2 =	sld [smem:$0x3FD9]  }
0x89: {  	s3 =	sld [smem:$0x3FFE];
	_ =	sdelay $0x1  }
0x8a: {  	s1 =	srdreg.scid  }
0x8b: {  	s0 =	sand.u32 $0x1, s1  }
0x8c: {  	s17 =	sshll.u32 s0, $0xA;
	s2 =	sadd.s32 s3, s2  }
0x8d: {  	s2 =	sadd.s32 s2, s17  }
0x8e: {  	[smem:$0x3FC0] =	sst s2  }
0x8f: {  	_ = 	snop  }
0x90: {  	s2 =	sld [smem:$0x3FC6]  }
0x91: {  	s18 =	sld [smem:$0x3FD0];
	(tm) =	ssettm $0x1  }
0x92: {  	s4 =	sld [smem:$0x3FFB];
	_ =	sdelay $0x3  }
0x93: {  	_ =	strace s4  }
0x94: {  	s4 =	sld [smem:$0x3FFC];
	_ =	sdelay $0x3  }
0x95: {  	_ =	strace s4  }
0x96: {  	s4 =	sld [smem:$0x3FFD];
	_ =	sdelay $0x3  }
0x97: {  	_ =	strace s4  }
0x98: {  	_ =	strace $0x8FFFFFFF  }
0x99: {  	s19 =	sld [smem:$0x3FDB];
	_ =	sdelay $0x1  }
0x9a: {  	s5 =	simm.s32 $_scs_section_size  }
0x9b: {  	s6 =	simm.s32 $_size__tile_overlayer_lowered;
	s7 =	simm.s32 $_tile_overlayer_lowered  }
0x9c: {  	s22 =	simm.s32 $0x1BFF;
	s21 =	sshll.u32 s7, $0x1;
	s4 =	sadd.s32 s5, s19  }
0x9d: {  	s8 =	simm.s32 $0x0;
	s20 =	sshll.u32 s6, $0x1;
	s6 =	sadd.s32 s21, s4  }
0x9e: {  	[timem:s8], [sflag:s22] =	dma.local [hbm:s6], s20  }
0x9f: {  	_ =	swait.ge [sflag:s22], s20  }
0xa0: {  	s5 =	ssub.s32 $0x0, s20;
	[sflag:s22] =	ssyncset.done $0x0  }
0xa1: {  	[sflag:s22] =	ssyncadd.s32 s5;
	_ =	sdelay $0x1  }
0xa2: {  	s23 =	simm.s32 $0x1B8B  }
0xa3: {  	_ =	swait.ge [sflag:s23], $0x1  }
0xa4: {  	[sflag:s23] =	ssyncset.done $0x0  }
0xa5: {  	s25 =	simm.s32 $0x1B8E;
	s24 =	sld [smem:$0x3FFE];
	[sflag:s23] =	ssyncadd.s32 $0xFFFFFFFF  }
0xa6: {  	s26 =	simm.s32 $execute0_lowered;
	[smem:$0x3FD2] =	sst s25  }
0xa7: {  	s6 =	sshll.u32 s26, $0x1;
	_ =	strace $0x80000046;
	[dreg:$0x1] =	wrdreg $0xFFFFFFFF  }
0xa8: {  	s28 =	simm.s32 $_size_execute0_lowered;
	s4 =	sadd.s32 s4, s6;
	[dreg:$0x0] =	wrdreg $0x0  }
0xa9: {  	s6 =	sshll.u32 s28, $0x1;
	[dreg:$0x2] =	wrdreg s4  }
0xaa: {  	[dreg:$0x3] =	wrdreg s6  }
0xab: {  	[dreg:$0x4] =	wrdreg $0xC0  }
0xac: {  	_ =	task [dreg:s8], $0x5FFFF  }
0xad: {  	[dreg:$0x1] =	wrdreg $0xFFFFFFFF  }
0xae: {  	[dreg:$0x0] =	wrdreg $0x60  }
0xaf: {  	[dreg:$0x2] =	wrdreg s2  }
0xb0: {  	[dreg:$0x3] =	wrdreg s18  }
0xb1: {  	[dreg:$0x4] =	wrdreg s24  }
0xb2: {  	[dreg:$0x5] =	wrdreg $0x9  }
0xb3: {  	_ =	task.clear_ibuf [dreg:s8], $0x6FFFF;
	_ =	strace $0x90000046  }
0xb4: {  	s29 =	simm.s32 $0x9;
	_ =	strace $0x80000048  }
0xb5: {  	_ =	swait.ge [sflag:s29], $0x1  }
0xb6: {  	[sflag:s29] =	ssyncadd.s32 $0xFFFFFFFF  }
0xb7: {  	_ =	strace $0x90000048  }
0xb8: {  	_ =	sfence  }
0xb9: {  	s30 =	sld [smem:$0x0];
	_ =	sdelay $0x2  }
0xba: {  	s31 =	sshll.u32 s1, $0xD;
	s1 =	sshrl.u32 s1, $0x2  }
0xbb: {  	s3 =	sand.u32 $0x4000, s31;
	s1 =	sadd.s32 s1, s30  }
0xbc: {  	s0 =	sor.u32 s3, s0;
	s1 =	sshll.u32 s1, $0x11  }
0xbd: {  	s0 =	sor.u32 s1, s0  }
0xbe: {  	s0 =	sadd.s32 $0x8F2B, s0  }
0xbf: {  	[sflag:s0] =	ssyncadd.remote.s32 $0x1  }
0xc0: {  	_ =	sfence.sel $0xFFFF  }
0xc1: {  	[dreg:$0x0] =	wrdreg $0xFFFFFFFF;
	(pc) =	sbr.abs _section_cstart, $3  }
0xc2: {  	[dreg:$0x1] =	wrdreg $0xFFFFFFFF  }
0xc3: {  	_ =	task.clear_ibuf [dreg:s8], $0x2FFFF;
	_ =	strace $0x9FFFFFFF  }
0xc4: {  	(tm) =	ssettm $0x7FFFFFFF  }
0xc5: {  	_ =	shalt  }
tec
execute0_lowered:
.L_overlay_start_1:
0x0: {  	(tag) =	ssettag $0x1  }
0x1: {  	s1 =	rddreg [dreg:$0x0]  }
0x2: {  	s0 =	rddreg [dreg:$0x1]  }
0x3: {  	s2 =	srdreg.scid;
	s3 =	stileid.u32  }
0x4: {  	s4 =	rddreg [dreg:$0x2];
	s14 =	simm.s32 $0x400;
	s31 =	simm.s32 $0x2  }
0x5: {  	s15 =	simm.s32 $0x4400;
	s16 =	simm.s32 $0x4C00;
	s17 =	simm.s32 $0x5400  }
0x6: {  	s18 =	simm.s32 $0x5C00;
	s19 =	simm.s32 $0x6400;
	s20 =	simm.s32 $0x6C00  }
0x7: {  	s28 =	simm.s32 $0x9C00;
	s29 =	simm.s32 $0xA400;
	s30 =	simm.s32 $0xAC00  }
0x8: {  	s8 =	simm.s32 $0xD400;
	s9 =	simm.s32 $0xDC00;
	s10 =	simm.s32 $0xE400  }
0x9: {  	s11 =	simm.s32 $0xEC00;
	s12 =	simm.s32 $0xF400;
	s13 =	simm.s32 $0xFC00  }
0xa: {  	s2 =	sand.u32 $0x1, s2;
	s5 =	sshll.u32 s3, $0x1;
	s3 =	simm.s32 $0x0  }
0xb: {  	s4 =	sadd.s32 $0x1000, s4;
	s5 =	sor.u32 s2, s5;
	[smem:$0x7FF] =	sst s3  }
0xc: {  	s2 =	ssub.s32 $0x2, s2;
	s6 =	smul.u32 $0x28000, s5;
	_ =	strace $0x80000047  }
0xd: {  	s7 =	sshll.u32 s5, $0x7;
	s5 =	smul.u32 $0x5000, s5;
	s24 =	sshrl.u32 s2, $0x1  }
0xe: {  	s0 =	sadd.s32 s0, s7;
	s2 =	ssub.s32 s2, s24;
	s6 =	sshrl.u32 s6, $0x3  }
0xf: {  	[dreg:$0x4] =	wrdreg s0;
	s21 =	sadd.s32 s4, s5;
	s4 =	sadd.s32 s4, s6  }
0x10: {  	s7 =	simm.s32 $0xBC00;
	[dreg:$0x5] =	wrdreg s21;
	s22 =	sadd.s32 $0x1000, s4  }
0x11: {  	s21 =	simm.s32 $0x7400;
	s23 =	sadd.s32 $0x2000, s4;
	[dreg:$0x6] =	wrdreg s22  }
0x12: {  	s6 =	simm.s32 $0xCC00;
	s25 =	sadd.s32 $0x3000, s4;
	[dreg:$0x7] =	wrdreg s23  }
0x13: {  	v2 =	vlaneseq.u32;
	s26 =	sadd.s32 $0x4000, s4;
	s4 =	smax.u32 s2, $0x1;
	[dreg:$0x8] =	wrdreg s25  }
0x14: {  	vm0 =	vmmov $0xffff;
	v1 =	vshrl.u32 v2, $0x3;
	s2 =	simm.s32 $0x3;
	[dreg:$0x9] =	wrdreg s26;
	s22 =	simm.s32 $0x1  }
0x15: {  	v0 =	vand.u32 $0x7, v2;
	v2 =	vor.u32 $0x8, v2;
	v1 =	vmul.u32 $0x8, v1;
	s25 =	simm.s32 $0x8C00;
	s26 =	simm.s32 $0x9400;
	s23 =	simm.s32 $0xC400  }
.LBB2_1:
0x16: {  	s24 =	rddreg [dreg:$0x4];
	s5 =	simm.s32 $0x5  }
0x17: {  	[tilespmem:s3], [sflag:$0x5] =	stream.linear.gather [hbm4b:s24+s3], $0x280, $0x38;
	[tilespmem:$0x10400] =	vst v63  }
0x18: {  	_ =	swait.ge [sflag:s5], $0x280  }
0x19: {  	[sflag:s5] =	ssyncset.done $0x0  }
0x1a: {  	[sflag:s5] =	ssyncadd.s32 $0xFFFFFD80  }
0x1b: {  	v3 =	vld [tilespmem:$0x0];
	_ =	sdelay $0x4  }
0x1c: {  	v4 =	vshll.u32 v3, $0x1  }
0x1d: {  	v3 =	vand.u32 $0x7, v3;
	v4 =	vand.u32 $0xFFFFFFF0, v4  }
0x1e: {  	v3 =	vor.u32 v3, v4  }
0x1f: {  	v4 =	vperm.xlane v3, v0;
	_ =	sdelay $0x1  }
0x20: {  	v3 =	vperm.xlane v3, v2;
	v4 =	vadd.s32 v1, v4;
	_ =	sdelay $0x1  }
0x21: {  	v3 =	vadd.s32 v1, v3;
	_ =	sdelay $0x2  }
0x22: {  	[tilespmem:s14], [sflag:$0x1] =	stream.indirect_vreg.gather [hbm4b:s1+s3], $0x80, v4, vm0, $0xb8;
	[tilespmem:$0x10400] =	vst v63  }
0x23: {  	s0 =	simm.s32 $0xC00  }
0x24: {  	[tilespmem:s0], [sflag:$0x1] =	stream.indirect_vreg.gather [hbm4b:s1+s3], $0x80, v3, vm0, $0xb8;
	[tilespmem:$0x10400] =	vst v63  }
0x25: {  	v3 =	vld [tilespmem:$0x10];
	_ =	sdelay $0x4  }
0x26: {  	v25 =	vshll.u32 v3, $0x1  }
0x27: {  	v3 =	vand.u32 $0x7, v3;
	v4 =	vand.u32 $0xFFFFFFF0, v25  }
0x28: {  	v3 =	vor.u32 v3, v4  }
0x29: {  	v4 =	vperm.xlane v3, v0;
	_ =	sdelay $0x1  }
0x2a: {  	v3 =	vperm.xlane v3, v2;
	v4 =	vadd.s32 v1, v4;
	_ =	sdelay $0x1  }
0x2b: {  	v3 =	vadd.s32 v1, v3;
	_ =	sdelay $0x1  }
0x2c: {  	s24 =	simm.s32 $0x1400  }
0x2d: {  	[tilespmem:s24], [sflag:$0x1] =	stream.indirect_vreg.gather [hbm4b:s1+s3], $0x80, v4, vm0, $0xb8;
	[tilespmem:$0x10400] =	vst v63  }
0x2e: {  	s5 =	simm.s32 $0x1C00  }
0x2f: {  	[tilespmem:s5], [sflag:$0x1] =	stream.indirect_vreg.gather [hbm4b:s1+s3], $0x80, v3, vm0, $0xb8;
	[tilespmem:$0x10400] =	vst v63  }
0x30: {  	v3 =	vld [tilespmem:$0x20];
	_ =	sdelay $0x4  }
0x31: {  	v26 =	vshll.u32 v3, $0x1  }
0x32: {  	v3 =	vand.u32 $0x7, v3;
	v4 =	vand.u32 $0xFFFFFFF0, v26  }
0x33: {  	v3 =	vor.u32 v3, v4  }
0x34: {  	v4 =	vperm.xlane v3, v0;
	_ =	sdelay $0x1  }
0x35: {  	v3 =	vperm.xlane v3, v2;
	v4 =	vadd.s32 v1, v4;
	_ =	sdelay $0x1  }
0x36: {  	v3 =	vadd.s32 v1, v3;
	_ =	sdelay $0x1  }
0x37: {  	s24 =	simm.s32 $0x2400  }
0x38: {  	[tilespmem:s24], [sflag:$0x1] =	stream.indirect_vreg.gather [hbm4b:s1+s3], $0x80, v4, vm0, $0xb8;
	[tilespmem:$0x10400] =	vst v63  }
0x39: {  	s5 =	simm.s32 $0x2C00  }
0x3a: {  	[tilespmem:s5], [sflag:$0x1] =	stream.indirect_vreg.gather [hbm4b:s1+s3], $0x80, v3, vm0, $0xb8;
	[tilespmem:$0x10400] =	vst v63  }
0x3b: {  	v3 =	vld [tilespmem:$0x30];
	_ =	sdelay $0x4  }
0x3c: {  	v27 =	vshll.u32 v3, $0x1  }
0x3d: {  	v3 =	vand.u32 $0x7, v3;
	v4 =	vand.u32 $0xFFFFFFF0, v27  }
0x3e: {  	v3 =	vor.u32 v3, v4  }
0x3f: {  	v4 =	vperm.xlane v3, v0;
	_ =	sdelay $0x1  }
0x40: {  	v3 =	vperm.xlane v3, v2;
	v4 =	vadd.s32 v1, v4;
	_ =	sdelay $0x1  }
0x41: {  	v3 =	vadd.s32 v1, v3;
	_ =	sdelay $0x1  }
0x42: {  	s24 =	simm.s32 $0x3400  }
0x43: {  	[tilespmem:s24], [sflag:$0x1] =	stream.indirect_vreg.gather [hbm4b:s1+s3], $0x80, v4, vm0, $0xb8;
	[tilespmem:$0x10400] =	vst v63  }
0x44: {  	s5 =	simm.s32 $0x3C00  }
0x45: {  	[tilespmem:s5], [sflag:$0x1] =	stream.indirect_vreg.gather [hbm4b:s1+s3], $0x80, v3, vm0, $0xb8;
	[tilespmem:$0x10400] =	vst v63  }
0x46: {  	v3 =	vld [tilespmem:$0x40];
	_ =	sdelay $0x4  }
0x47: {  	v28 =	vshll.u32 v3, $0x1  }
0x48: {  	v3 =	vand.u32 $0x7, v3;
	v4 =	vand.u32 $0xFFFFFFF0, v28  }
0x49: {  	v3 =	vor.u32 v3, v4  }
0x4a: {  	v4 =	vperm.xlane v3, v0;
	_ =	sdelay $0x1  }
0x4b: {  	v3 =	vperm.xlane v3, v2;
	v4 =	vadd.s32 v1, v4;
	_ =	sdelay $0x1  }
0x4c: {  	v3 =	vadd.s32 v1, v3;
	_ =	sdelay $0x2  }
0x4d: {  	[tilespmem:s15], [sflag:$0x1] =	stream.indirect_vreg.gather [hbm4b:s1+s3], $0x80, v4, vm0, $0xb8;
	[tilespmem:$0x10400] =	vst v63  }
0x4e: {  	_ = 	snop  }
0x4f: {  	[tilespmem:s16], [sflag:$0x1] =	stream.indirect_vreg.gather [hbm4b:s1+s3], $0x80, v3, vm0, $0xb8;
	[tilespmem:$0x10400] =	vst v63  }
0x50: {  	v3 =	vld [tilespmem:$0x50];
	_ =	sdelay $0x4  }
0x51: {  	v29 =	vshll.u32 v3, $0x1  }
0x52: {  	v3 =	vand.u32 $0x7, v3;
	v4 =	vand.u32 $0xFFFFFFF0, v29  }
0x53: {  	v3 =	vor.u32 v3, v4  }
0x54: {  	v4 =	vperm.xlane v3, v0;
	_ =	sdelay $0x1  }
0x55: {  	v3 =	vperm.xlane v3, v2;
	v4 =	vadd.s32 v1, v4;
	_ =	sdelay $0x1  }
0x56: {  	v3 =	vadd.s32 v1, v3;
	_ =	sdelay $0x2  }
0x57: {  	[tilespmem:s17], [sflag:$0x1] =	stream.indirect_vreg.gather [hbm4b:s1+s3], $0x80, v4, vm0, $0xb8;
	[tilespmem:$0x10400] =	vst v63  }
0x58: {  	_ = 	snop  }
0x59: {  	[tilespmem:s18], [sflag:$0x1] =	stream.indirect_vreg.gather [hbm4b:s1+s3], $0x80, v3, vm0, $0xb8;
	[tilespmem:$0x10400] =	vst v63  }
0x5a: {  	v3 =	vld [tilespmem:$0x60];
	_ =	sdelay $0x4  }
0x5b: {  	v30 =	vshll.u32 v3, $0x1  }
0x5c: {  	v3 =	vand.u32 $0x7, v3;
	v4 =	vand.u32 $0xFFFFFFF0, v30  }
0x5d: {  	v3 =	vor.u32 v3, v4  }
0x5e: {  	v4 =	vperm.xlane v3, v0;
	_ =	sdelay $0x1  }
0x5f: {  	v3 =	vperm.xlane v3, v2;
	v4 =	vadd.s32 v1, v4;
	_ =	sdelay $0x1  }
0x60: {  	v3 =	vadd.s32 v1, v3;
	_ =	sdelay $0x2  }
0x61: {  	[tilespmem:s19], [sflag:$0x1] =	stream.indirect_vreg.gather [hbm4b:s1+s3], $0x80, v4, vm0, $0xb8;
	[tilespmem:$0x10400] =	vst v63  }
0x62: {  	_ = 	snop  }
0x63: {  	[tilespmem:s20], [sflag:$0x1] =	stream.indirect_vreg.gather [hbm4b:s1+s3], $0x80, v3, vm0, $0xb8;
	[tilespmem:$0x10400] =	vst v63  }
0x64: {  	v3 =	vld [tilespmem:$0x70];
	_ =	sdelay $0x4  }
0x65: {  	v31 =	vshll.u32 v3, $0x1  }
0x66: {  	v3 =	vand.u32 $0x7, v3;
	v4 =	vand.u32 $0xFFFFFFF0, v31  }
0x67: {  	v3 =	vor.u32 v3, v4  }
0x68: {  	v4 =	vperm.xlane v3, v0;
	_ =	sdelay $0x1  }
0x69: {  	v3 =	vperm.xlane v3, v2;
	v4 =	vadd.s32 v1, v4;
	_ =	sdelay $0x1  }
0x6a: {  	v3 =	vadd.s32 v1, v3;
	_ =	sdelay $0x2  }
0x6b: {  	[tilespmem:s21], [sflag:$0x1] =	stream.indirect_vreg.gather [hbm4b:s1+s3], $0x80, v4, vm0, $0xb8;
	[tilespmem:$0x10400] =	vst v63  }
0x6c: {  	s24 =	simm.s32 $0x7C00  }
0x6d: {  	[tilespmem:s24], [sflag:$0x1] =	stream.indirect_vreg.gather [hbm4b:s1+s3], $0x80, v3, vm0, $0xb8;
	[tilespmem:$0x10400] =	vst v63  }
0x6e: {  	_ =	swait.ge [sflag:s22], $0x8000  }
0x6f: {  	[sflag:s22] =	ssyncset.done $0x0  }
0x70: {  	s0 =	rddreg [dreg:$0x5];
	[sflag:s22] =	ssyncadd.s32 $0xFFFF8000  }
0x71: {  	[hbm4b:s0+s3] =	stream.linear.scatter [tilespmem:s14], [sflag:$0x3], $0x8000, $0x38;
	[tilespmem:$0x10400] =	vst v63  }
0x72: {  	v3 =	vld [tilespmem:$0x80];
	_ =	sdelay $0x4  }
0x73: {  	v32 =	vshll.u32 v3, $0x1  }
0x74: {  	v3 =	vand.u32 $0x7, v3;
	v4 =	vand.u32 $0xFFFFFFF0, v32  }
0x75: {  	v3 =	vor.u32 v3, v4  }
0x76: {  	v4 =	vperm.xlane v3, v0;
	_ =	sdelay $0x1  }
0x77: {  	v3 =	vperm.xlane v3, v2;
	v4 =	vadd.s32 v1, v4;
	_ =	sdelay $0x1  }
0x78: {  	v3 =	vadd.s32 v1, v3;
	_ =	sdelay $0x1  }
0x79: {  	s0 =	simm.s32 $0x8400  }
0x7a: {  	[tilespmem:s0], [sflag:$0x2] =	stream.indirect_vreg.gather [hbm4b:s1+s3], $0x80, v4, vm0, $0xb8;
	[tilespmem:$0x10400] =	vst v63  }
0x7b: {  	_ = 	snop  }
0x7c: {  	[tilespmem:s25], [sflag:$0x2] =	stream.indirect_vreg.gather [hbm4b:s1+s3], $0x80, v3, vm0, $0xb8;
	[tilespmem:$0x10400] =	vst v63  }
0x7d: {  	v3 =	vld [tilespmem:$0x90];
	_ =	sdelay $0x4  }
0x7e: {  	v33 =	vshll.u32 v3, $0x1  }
0x7f: {  	v3 =	vand.u32 $0x7, v3;
	v4 =	vand.u32 $0xFFFFFFF0, v33  }
0x80: {  	v3 =	vor.u32 v3, v4  }
0x81: {  	v4 =	vperm.xlane v3, v0;
	_ =	sdelay $0x1  }
0x82: {  	v3 =	vperm.xlane v3, v2;
	v4 =	vadd.s32 v1, v4;
	_ =	sdelay $0x1  }
0x83: {  	v3 =	vadd.s32 v1, v3;
	_ =	sdelay $0x2  }
0x84: {  	[tilespmem:s26], [sflag:$0x2] =	stream.indirect_vreg.gather [hbm4b:s1+s3], $0x80, v4, vm0, $0xb8;
	[tilespmem:$0x10400] =	vst v63  }
0x85: {  	_ = 	snop  }
0x86: {  	[tilespmem:s28], [sflag:$0x2] =	stream.indirect_vreg.gather [hbm4b:s1+s3], $0x80, v3, vm0, $0xb8;
	[tilespmem:$0x10400] =	vst v63  }
0x87: {  	v3 =	vld [tilespmem:$0xA0];
	_ =	sdelay $0x4  }
0x88: {  	v34 =	vshll.u32 v3, $0x1  }
0x89: {  	v3 =	vand.u32 $0x7, v3;
	v4 =	vand.u32 $0xFFFFFFF0, v34  }
0x8a: {  	v3 =	vor.u32 v3, v4  }
0x8b: {  	v4 =	vperm.xlane v3, v0;
	_ =	sdelay $0x1  }
0x8c: {  	v3 =	vperm.xlane v3, v2;
	v4 =	vadd.s32 v1, v4;
	_ =	sdelay $0x1  }
0x8d: {  	v3 =	vadd.s32 v1, v3;
	_ =	sdelay $0x2  }
0x8e: {  	[tilespmem:s29], [sflag:$0x2] =	stream.indirect_vreg.gather [hbm4b:s1+s3], $0x80, v4, vm0, $0xb8;
	[tilespmem:$0x10400] =	vst v63  }
0x8f: {  	_ = 	snop  }
0x90: {  	[tilespmem:s30], [sflag:$0x2] =	stream.indirect_vreg.gather [hbm4b:s1+s3], $0x80, v3, vm0, $0xb8;
	[tilespmem:$0x10400] =	vst v63  }
0x91: {  	v3 =	vld [tilespmem:$0xB0];
	_ =	sdelay $0x4  }
0x92: {  	v35 =	vshll.u32 v3, $0x1  }
0x93: {  	v3 =	vand.u32 $0x7, v3;
	v4 =	vand.u32 $0xFFFFFFF0, v35  }
0x94: {  	v3 =	vor.u32 v3, v4  }
0x95: {  	v4 =	vperm.xlane v3, v0;
	_ =	sdelay $0x1  }
0x96: {  	v3 =	vperm.xlane v3, v2;
	v4 =	vadd.s32 v1, v4;
	_ =	sdelay $0x1  }
0x97: {  	v3 =	vadd.s32 v1, v3;
	_ =	sdelay $0x1  }
0x98: {  	s5 =	simm.s32 $0xB400  }
0x99: {  	[tilespmem:s5], [sflag:$0x2] =	stream.indirect_vreg.gather [hbm4b:s1+s3], $0x80, v4, vm0, $0xb8;
	[tilespmem:$0x10400] =	vst v63  }
0x9a: {  	_ = 	snop  }
0x9b: {  	[tilespmem:s7], [sflag:$0x2] =	stream.indirect_vreg.gather [hbm4b:s1+s3], $0x80, v3, vm0, $0xb8;
	[tilespmem:$0x10400] =	vst v63  }
0x9c: {  	v3 =	vld [tilespmem:$0xC0];
	_ =	sdelay $0x4  }
0x9d: {  	v36 =	vshll.u32 v3, $0x1  }
0x9e: {  	v3 =	vand.u32 $0x7, v3;
	v4 =	vand.u32 $0xFFFFFFF0, v36  }
0x9f: {  	v3 =	vor.u32 v3, v4  }
0xa0: {  	v4 =	vperm.xlane v3, v0;
	_ =	sdelay $0x1  }
0xa1: {  	v3 =	vperm.xlane v3, v2;
	v4 =	vadd.s32 v1, v4;
	_ =	sdelay $0x1  }
0xa2: {  	v3 =	vadd.s32 v1, v3;
	_ =	sdelay $0x2  }
0xa3: {  	[tilespmem:s23], [sflag:$0x2] =	stream.indirect_vreg.gather [hbm4b:s1+s3], $0x80, v4, vm0, $0xb8;
	[tilespmem:$0x10400] =	vst v63  }
0xa4: {  	_ = 	snop  }
0xa5: {  	[tilespmem:s6], [sflag:$0x2] =	stream.indirect_vreg.gather [hbm4b:s1+s3], $0x80, v3, vm0, $0xb8;
	[tilespmem:$0x10400] =	vst v63  }
0xa6: {  	v3 =	vld [tilespmem:$0xD0];
	_ =	sdelay $0x4  }
0xa7: {  	v37 =	vshll.u32 v3, $0x1  }
0xa8: {  	v3 =	vand.u32 $0x7, v3;
	v4 =	vand.u32 $0xFFFFFFF0, v37  }
0xa9: {  	v3 =	vor.u32 v3, v4  }
0xaa: {  	v4 =	vperm.xlane v3, v0;
	_ =	sdelay $0x1  }
0xab: {  	v3 =	vperm.xlane v3, v2;
	v4 =	vadd.s32 v1, v4;
	_ =	sdelay $0x1  }
0xac: {  	v3 =	vadd.s32 v1, v3;
	_ =	sdelay $0x2  }
0xad: {  	[tilespmem:s8], [sflag:$0x2] =	stream.indirect_vreg.gather [hbm4b:s1+s3], $0x80, v4, vm0, $0xb8;
	[tilespmem:$0x10400] =	vst v63  }
0xae: {  	_ = 	snop  }
0xaf: {  	[tilespmem:s9], [sflag:$0x2] =	stream.indirect_vreg.gather [hbm4b:s1+s3], $0x80, v3, vm0, $0xb8;
	[tilespmem:$0x10400] =	vst v63  }
0xb0: {  	v3 =	vld [tilespmem:$0xE0];
	_ =	sdelay $0x4  }
0xb1: {  	v38 =	vshll.u32 v3, $0x1  }
0xb2: {  	v3 =	vand.u32 $0x7, v3;
	v4 =	vand.u32 $0xFFFFFFF0, v38  }
0xb3: {  	v3 =	vor.u32 v3, v4  }
0xb4: {  	v4 =	vperm.xlane v3, v0;
	_ =	sdelay $0x1  }
0xb5: {  	v3 =	vperm.xlane v3, v2;
	v4 =	vadd.s32 v1, v4;
	_ =	sdelay $0x1  }
0xb6: {  	v3 =	vadd.s32 v1, v3;
	_ =	sdelay $0x2  }
0xb7: {  	[tilespmem:s10], [sflag:$0x2] =	stream.indirect_vreg.gather [hbm4b:s1+s3], $0x80, v4, vm0, $0xb8;
	[tilespmem:$0x10400] =	vst v63  }
0xb8: {  	_ = 	snop  }
0xb9: {  	[tilespmem:s11], [sflag:$0x2] =	stream.indirect_vreg.gather [hbm4b:s1+s3], $0x80, v3, vm0, $0xb8;
	[tilespmem:$0x10400] =	vst v63  }
0xba: {  	v3 =	vld [tilespmem:$0xF0];
	_ =	sdelay $0x4  }
0xbb: {  	v39 =	vshll.u32 v3, $0x1  }
0xbc: {  	v3 =	vand.u32 $0x7, v3;
	v4 =	vand.u32 $0xFFFFFFF0, v39  }
0xbd: {  	v3 =	vor.u32 v3, v4  }
0xbe: {  	v4 =	vperm.xlane v3, v0;
	_ =	sdelay $0x1  }
0xbf: {  	v3 =	vperm.xlane v3, v2;
	v4 =	vadd.s32 v1, v4;
	_ =	sdelay $0x1  }
0xc0: {  	v3 =	vadd.s32 v1, v3;
	_ =	sdelay $0x2  }
0xc1: {  	[tilespmem:s12], [sflag:$0x2] =	stream.indirect_vreg.gather [hbm4b:s1+s3], $0x80, v4, vm0, $0xb8;
	[tilespmem:$0x10400] =	vst v63  }
0xc2: {  	_ = 	snop  }
0xc3: {  	[tilespmem:s13], [sflag:$0x2] =	stream.indirect_vreg.gather [hbm4b:s1+s3], $0x80, v3, vm0, $0xb8;
	[tilespmem:$0x10400] =	vst v63  }
0xc4: {  	_ =	swait.ge [sflag:s31], $0x8000  }
0xc5: {  	[sflag:s31] =	ssyncset.done $0x0  }
0xc6: {  	s24 =	rddreg [dreg:$0x6];
	[sflag:s31] =	ssyncadd.s32 $0xFFFF8000  }
0xc7: {  	[hbm4b:s24+s3] =	stream.linear.scatter [tilespmem:s0], [sflag:$0x4], $0x8000, $0x38;
	[tilespmem:$0x10400] =	vst v63  }
0xc8: {  	_ =	swait.ge [sflag:s2], $0x8000  }
0xc9: {  	[sflag:s2] =	ssyncset.done $0x0  }
0xca: {  	[sflag:s2] =	ssyncadd.s32 $0xFFFF8000  }
0xcb: {  	v3 =	vld [tilespmem:$0x100];
	_ =	sdelay $0x4  }
0xcc: {  	v40 =	vshll.u32 v3, $0x1  }
0xcd: {  	v3 =	vand.u32 $0x7, v3;
	v4 =	vand.u32 $0xFFFFFFF0, v40  }
0xce: {  	v3 =	vor.u32 v3, v4  }
0xcf: {  	v4 =	vperm.xlane v3, v0;
	_ =	sdelay $0x1  }
0xd0: {  	v3 =	vperm.xlane v3, v2;
	v4 =	vadd.s32 v1, v4;
	_ =	sdelay $0x1  }
0xd1: {  	v3 =	vadd.s32 v1, v3;
	_ =	sdelay $0x2  }
0xd2: {  	[tilespmem:s14], [sflag:$0x1] =	stream.indirect_vreg.gather [hbm4b:s1+s3], $0x80, v4, vm0, $0xb8;
	[tilespmem:$0x10400] =	vst v63  }
0xd3: {  	s24 =	simm.s32 $0xC00  }
0xd4: {  	[tilespmem:s24], [sflag:$0x1] =	stream.indirect_vreg.gather [hbm4b:s1+s3], $0x80, v3, vm0, $0xb8;
	[tilespmem:$0x10400] =	vst v63  }
0xd5: {  	v3 =	vld [tilespmem:$0x110];
	_ =	sdelay $0x4  }
0xd6: {  	v41 =	vshll.u32 v3, $0x1  }
0xd7: {  	v3 =	vand.u32 $0x7, v3;
	v4 =	vand.u32 $0xFFFFFFF0, v41  }
0xd8: {  	v3 =	vor.u32 v3, v4  }
0xd9: {  	v4 =	vperm.xlane v3, v0;
	_ =	sdelay $0x1  }
0xda: {  	v3 =	vperm.xlane v3, v2;
	v4 =	vadd.s32 v1, v4;
	_ =	sdelay $0x1  }
0xdb: {  	v3 =	vadd.s32 v1, v3;
	_ =	sdelay $0x1  }
0xdc: {  	s24 =	simm.s32 $0x1400  }
0xdd: {  	[tilespmem:s24], [sflag:$0x1] =	stream.indirect_vreg.gather [hbm4b:s1+s3], $0x80, v4, vm0, $0xb8;
	[tilespmem:$0x10400] =	vst v63  }
0xde: {  	s24 =	simm.s32 $0x1C00  }
0xdf: {  	[tilespmem:s24], [sflag:$0x1] =	stream.indirect_vreg.gather [hbm4b:s1+s3], $0x80, v3, vm0, $0xb8;
	[tilespmem:$0x10400] =	vst v63  }
0xe0: {  	v3 =	vld [tilespmem:$0x120];
	_ =	sdelay $0x4  }
0xe1: {  	v42 =	vshll.u32 v3, $0x1  }
0xe2: {  	v3 =	vand.u32 $0x7, v3;
	v4 =	vand.u32 $0xFFFFFFF0, v42  }
0xe3: {  	v3 =	vor.u32 v3, v4  }
0xe4: {  	v4 =	vperm.xlane v3, v0;
	_ =	sdelay $0x1  }
0xe5: {  	v3 =	vperm.xlane v3, v2;
	v4 =	vadd.s32 v1, v4;
	_ =	sdelay $0x1  }
0xe6: {  	v3 =	vadd.s32 v1, v3;
	_ =	sdelay $0x1  }
0xe7: {  	s24 =	simm.s32 $0x2400  }
0xe8: {  	[tilespmem:s24], [sflag:$0x1] =	stream.indirect_vreg.gather [hbm4b:s1+s3], $0x80, v4, vm0, $0xb8;
	[tilespmem:$0x10400] =	vst v63  }
0xe9: {  	s24 =	simm.s32 $0x2C00  }
0xea: {  	[tilespmem:s24], [sflag:$0x1] =	stream.indirect_vreg.gather [hbm4b:s1+s3], $0x80, v3, vm0, $0xb8;
	[tilespmem:$0x10400] =	vst v63  }
0xeb: {  	v3 =	vld [tilespmem:$0x130];
	_ =	sdelay $0x4  }
0xec: {  	v43 =	vshll.u32 v3, $0x1  }
0xed: {  	v3 =	vand.u32 $0x7, v3;
	v4 =	vand.u32 $0xFFFFFFF0, v43  }
0xee: {  	v3 =	vor.u32 v3, v4  }
0xef: {  	v4 =	vperm.xlane v3, v0;
	_ =	sdelay $0x1  }
0xf0: {  	v3 =	vperm.xlane v3, v2;
	v4 =	vadd.s32 v1, v4;
	_ =	sdelay $0x1  }
0xf1: {  	v3 =	vadd.s32 v1, v3;
	_ =	sdelay $0x1  }
0xf2: {  	s24 =	simm.s32 $0x3400  }
0xf3: {  	[tilespmem:s24], [sflag:$0x1] =	stream.indirect_vreg.gather [hbm4b:s1+s3], $0x80, v4, vm0, $0xb8;
	[tilespmem:$0x10400] =	vst v63  }
0xf4: {  	s24 =	simm.s32 $0x3C00  }
0xf5: {  	[tilespmem:s24], [sflag:$0x1] =	stream.indirect_vreg.gather [hbm4b:s1+s3], $0x80, v3, vm0, $0xb8;
	[tilespmem:$0x10400] =	vst v63  }
0xf6: {  	v3 =	vld [tilespmem:$0x140];
	_ =	sdelay $0x4  }
0xf7: {  	v44 =	vshll.u32 v3, $0x1  }
0xf8: {  	v3 =	vand.u32 $0x7, v3;
	v4 =	vand.u32 $0xFFFFFFF0, v44  }
0xf9: {  	v3 =	vor.u32 v3, v4  }
0xfa: {  	v4 =	vperm.xlane v3, v0;
	_ =	sdelay $0x1  }
0xfb: {  	v3 =	vperm.xlane v3, v2;
	v4 =	vadd.s32 v1, v4;
	_ =	sdelay $0x1  }
0xfc: {  	v3 =	vadd.s32 v1, v3;
	_ =	sdelay $0x2  }
0xfd: {  	[tilespmem:s15], [sflag:$0x1] =	stream.indirect_vreg.gather [hbm4b:s1+s3], $0x80, v4, vm0, $0xb8;
	[tilespmem:$0x10400] =	vst v63  }
0xfe: {  	_ = 	snop  }
0xff: {  	[tilespmem:s16], [sflag:$0x1] =	stream.indirect_vreg.gather [hbm4b:s1+s3], $0x80, v3, vm0, $0xb8;
	[tilespmem:$0x10400] =	vst v63  }
0x100: {  	v3 =	vld [tilespmem:$0x150];
	_ =	sdelay $0x4  }
0x101: {  	v45 =	vshll.u32 v3, $0x1  }
0x102: {  	v3 =	vand.u32 $0x7, v3;
	v4 =	vand.u32 $0xFFFFFFF0, v45  }
0x103: {  	v3 =	vor.u32 v3, v4  }
0x104: {  	v4 =	vperm.xlane v3, v0;
	_ =	sdelay $0x1  }
0x105: {  	v3 =	vperm.xlane v3, v2;
	v4 =	vadd.s32 v1, v4;
	_ =	sdelay $0x1  }
0x106: {  	v3 =	vadd.s32 v1, v3;
	_ =	sdelay $0x2  }
0x107: {  	[tilespmem:s17], [sflag:$0x1] =	stream.indirect_vreg.gather [hbm4b:s1+s3], $0x80, v4, vm0, $0xb8;
	[tilespmem:$0x10400] =	vst v63  }
0x108: {  	_ = 	snop  }
0x109: {  	[tilespmem:s18], [sflag:$0x1] =	stream.indirect_vreg.gather [hbm4b:s1+s3], $0x80, v3, vm0, $0xb8;
	[tilespmem:$0x10400] =	vst v63  }
0x10a: {  	v3 =	vld [tilespmem:$0x160];
	_ =	sdelay $0x4  }
0x10b: {  	v46 =	vshll.u32 v3, $0x1  }
0x10c: {  	v3 =	vand.u32 $0x7, v3;
	v4 =	vand.u32 $0xFFFFFFF0, v46  }
0x10d: {  	v3 =	vor.u32 v3, v4  }
0x10e: {  	v4 =	vperm.xlane v3, v0;
	_ =	sdelay $0x1  }
0x10f: {  	v3 =	vperm.xlane v3, v2;
	v4 =	vadd.s32 v1, v4;
	_ =	sdelay $0x1  }
0x110: {  	v3 =	vadd.s32 v1, v3;
	_ =	sdelay $0x2  }
0x111: {  	[tilespmem:s19], [sflag:$0x1] =	stream.indirect_vreg.gather [hbm4b:s1+s3], $0x80, v4, vm0, $0xb8;
	[tilespmem:$0x10400] =	vst v63  }
0x112: {  	_ = 	snop  }
0x113: {  	[tilespmem:s20], [sflag:$0x1] =	stream.indirect_vreg.gather [hbm4b:s1+s3], $0x80, v3, vm0, $0xb8;
	[tilespmem:$0x10400] =	vst v63  }
0x114: {  	v3 =	vld [tilespmem:$0x170];
	_ =	sdelay $0x4  }
0x115: {  	v47 =	vshll.u32 v3, $0x1  }
0x116: {  	v3 =	vand.u32 $0x7, v3;
	v4 =	vand.u32 $0xFFFFFFF0, v47  }
0x117: {  	v3 =	vor.u32 v3, v4  }
0x118: {  	v4 =	vperm.xlane v3, v0;
	_ =	sdelay $0x1  }
0x119: {  	v3 =	vperm.xlane v3, v2;
	v4 =	vadd.s32 v1, v4;
	_ =	sdelay $0x1  }
0x11a: {  	v3 =	vadd.s32 v1, v3;
	_ =	sdelay $0x2  }
0x11b: {  	[tilespmem:s21], [sflag:$0x1] =	stream.indirect_vreg.gather [hbm4b:s1+s3], $0x80, v4, vm0, $0xb8;
	[tilespmem:$0x10400] =	vst v63  }
0x11c: {  	s24 =	simm.s32 $0x7C00  }
0x11d: {  	[tilespmem:s24], [sflag:$0x1] =	stream.indirect_vreg.gather [hbm4b:s1+s3], $0x80, v3, vm0, $0xb8;
	[tilespmem:$0x10400] =	vst v63  }
0x11e: {  	_ =	swait.ge [sflag:s22], $0x8000  }
0x11f: {  	[sflag:s22] =	ssyncset.done $0x0  }
0x120: {  	s24 =	rddreg [dreg:$0x7];
	[sflag:s22] =	ssyncadd.s32 $0xFFFF8000  }
0x121: {  	[hbm4b:s24+s3] =	stream.linear.scatter [tilespmem:s14], [sflag:$0x3], $0x8000, $0x38;
	[tilespmem:$0x10400] =	vst v63  }
0x122: {  	s24 =	simm.s32 $0x4  }
0x123: {  	_ =	swait.ge [sflag:s24], $0x8000  }
0x124: {  	[sflag:s24] =	ssyncset.done $0x0  }
0x125: {  	[sflag:s24] =	ssyncadd.s32 $0xFFFF8000  }
0x126: {  	v3 =	vld [tilespmem:$0x180];
	_ =	sdelay $0x4  }
0x127: {  	v48 =	vshll.u32 v3, $0x1  }
0x128: {  	v3 =	vand.u32 $0x7, v3;
	v4 =	vand.u32 $0xFFFFFFF0, v48  }
0x129: {  	v3 =	vor.u32 v3, v4  }
0x12a: {  	v4 =	vperm.xlane v3, v0;
	_ =	sdelay $0x1  }
0x12b: {  	v3 =	vperm.xlane v3, v2;
	v4 =	vadd.s32 v1, v4;
	_ =	sdelay $0x1  }
0x12c: {  	v3 =	vadd.s32 v1, v3;
	_ =	sdelay $0x2  }
0x12d: {  	[tilespmem:s0], [sflag:$0x2] =	stream.indirect_vreg.gather [hbm4b:s1+s3], $0x80, v4, vm0, $0xb8;
	[tilespmem:$0x10400] =	vst v63  }
0x12e: {  	_ = 	snop  }
0x12f: {  	[tilespmem:s25], [sflag:$0x2] =	stream.indirect_vreg.gather [hbm4b:s1+s3], $0x80, v3, vm0, $0xb8;
	[tilespmem:$0x10400] =	vst v63  }
0x130: {  	v3 =	vld [tilespmem:$0x190];
	_ =	sdelay $0x4  }
0x131: {  	v49 =	vshll.u32 v3, $0x1  }
0x132: {  	v3 =	vand.u32 $0x7, v3;
	v4 =	vand.u32 $0xFFFFFFF0, v49  }
0x133: {  	v3 =	vor.u32 v3, v4  }
0x134: {  	v4 =	vperm.xlane v3, v0;
	_ =	sdelay $0x1  }
0x135: {  	v3 =	vperm.xlane v3, v2;
	v4 =	vadd.s32 v1, v4;
	_ =	sdelay $0x1  }
0x136: {  	v3 =	vadd.s32 v1, v3;
	_ =	sdelay $0x2  }
0x137: {  	[tilespmem:s26], [sflag:$0x2] =	stream.indirect_vreg.gather [hbm4b:s1+s3], $0x80, v4, vm0, $0xb8;
	[tilespmem:$0x10400] =	vst v63  }
0x138: {  	_ = 	snop  }
0x139: {  	[tilespmem:s28], [sflag:$0x2] =	stream.indirect_vreg.gather [hbm4b:s1+s3], $0x80, v3, vm0, $0xb8;
	[tilespmem:$0x10400] =	vst v63  }
0x13a: {  	v3 =	vld [tilespmem:$0x1A0];
	_ =	sdelay $0x4  }
0x13b: {  	v50 =	vshll.u32 v3, $0x1  }
0x13c: {  	v3 =	vand.u32 $0x7, v3;
	v4 =	vand.u32 $0xFFFFFFF0, v50  }
0x13d: {  	v3 =	vor.u32 v3, v4  }
0x13e: {  	v4 =	vperm.xlane v3, v0;
	_ =	sdelay $0x1  }
0x13f: {  	v3 =	vperm.xlane v3, v2;
	v4 =	vadd.s32 v1, v4;
	_ =	sdelay $0x1  }
0x140: {  	v3 =	vadd.s32 v1, v3;
	_ =	sdelay $0x2  }
0x141: {  	[tilespmem:s29], [sflag:$0x2] =	stream.indirect_vreg.gather [hbm4b:s1+s3], $0x80, v4, vm0, $0xb8;
	[tilespmem:$0x10400] =	vst v63  }
0x142: {  	_ = 	snop  }
0x143: {  	[tilespmem:s30], [sflag:$0x2] =	stream.indirect_vreg.gather [hbm4b:s1+s3], $0x80, v3, vm0, $0xb8;
	[tilespmem:$0x10400] =	vst v63  }
0x144: {  	v3 =	vld [tilespmem:$0x1B0];
	_ =	sdelay $0x4  }
0x145: {  	v51 =	vshll.u32 v3, $0x1  }
0x146: {  	v3 =	vand.u32 $0x7, v3;
	v4 =	vand.u32 $0xFFFFFFF0, v51  }
0x147: {  	v3 =	vor.u32 v3, v4  }
0x148: {  	v4 =	vperm.xlane v3, v0;
	_ =	sdelay $0x1  }
0x149: {  	v3 =	vperm.xlane v3, v2;
	v4 =	vadd.s32 v1, v4;
	_ =	sdelay $0x1  }
0x14a: {  	v3 =	vadd.s32 v1, v3;
	_ =	sdelay $0x2  }
0x14b: {  	[tilespmem:s5], [sflag:$0x2] =	stream.indirect_vreg.gather [hbm4b:s1+s3], $0x80, v4, vm0, $0xb8;
	[tilespmem:$0x10400] =	vst v63  }
0x14c: {  	_ = 	snop  }
0x14d: {  	[tilespmem:s7], [sflag:$0x2] =	stream.indirect_vreg.gather [hbm4b:s1+s3], $0x80, v3, vm0, $0xb8;
	[tilespmem:$0x10400] =	vst v63  }
0x14e: {  	v3 =	vld [tilespmem:$0x1C0];
	_ =	sdelay $0x4  }
0x14f: {  	v52 =	vshll.u32 v3, $0x1  }
0x150: {  	v3 =	vand.u32 $0x7, v3;
	v4 =	vand.u32 $0xFFFFFFF0, v52  }
0x151: {  	v3 =	vor.u32 v3, v4  }
0x152: {  	v4 =	vperm.xlane v3, v0;
	_ =	sdelay $0x1  }
0x153: {  	v3 =	vperm.xlane v3, v2;
	v4 =	vadd.s32 v1, v4;
	_ =	sdelay $0x1  }
0x154: {  	v3 =	vadd.s32 v1, v3;
	_ =	sdelay $0x2  }
0x155: {  	[tilespmem:s23], [sflag:$0x2] =	stream.indirect_vreg.gather [hbm4b:s1+s3], $0x80, v4, vm0, $0xb8;
	[tilespmem:$0x10400] =	vst v63  }
0x156: {  	_ = 	snop  }
0x157: {  	[tilespmem:s6], [sflag:$0x2] =	stream.indirect_vreg.gather [hbm4b:s1+s3], $0x80, v3, vm0, $0xb8;
	[tilespmem:$0x10400] =	vst v63  }
0x158: {  	v3 =	vld [tilespmem:$0x1D0];
	_ =	sdelay $0x4  }
0x159: {  	v53 =	vshll.u32 v3, $0x1  }
0x15a: {  	v3 =	vand.u32 $0x7, v3;
	v4 =	vand.u32 $0xFFFFFFF0, v53  }
0x15b: {  	v3 =	vor.u32 v3, v4  }
0x15c: {  	v4 =	vperm.xlane v3, v0;
	_ =	sdelay $0x1  }
0x15d: {  	v3 =	vperm.xlane v3, v2;
	v4 =	vadd.s32 v1, v4;
	_ =	sdelay $0x1  }
0x15e: {  	v3 =	vadd.s32 v1, v3;
	_ =	sdelay $0x2  }
0x15f: {  	[tilespmem:s8], [sflag:$0x2] =	stream.indirect_vreg.gather [hbm4b:s1+s3], $0x80, v4, vm0, $0xb8;
	[tilespmem:$0x10400] =	vst v63  }
0x160: {  	_ = 	snop  }
0x161: {  	[tilespmem:s9], [sflag:$0x2] =	stream.indirect_vreg.gather [hbm4b:s1+s3], $0x80, v3, vm0, $0xb8;
	[tilespmem:$0x10400] =	vst v63  }
0x162: {  	v3 =	vld [tilespmem:$0x1E0];
	_ =	sdelay $0x4  }
0x163: {  	v54 =	vshll.u32 v3, $0x1  }
0x164: {  	v3 =	vand.u32 $0x7, v3;
	v4 =	vand.u32 $0xFFFFFFF0, v54  }
0x165: {  	v3 =	vor.u32 v3, v4  }
0x166: {  	v4 =	vperm.xlane v3, v0;
	_ =	sdelay $0x1  }
0x167: {  	v3 =	vperm.xlane v3, v2;
	v4 =	vadd.s32 v1, v4;
	_ =	sdelay $0x1  }
0x168: {  	v3 =	vadd.s32 v1, v3;
	_ =	sdelay $0x2  }
0x169: {  	[tilespmem:s10], [sflag:$0x2] =	stream.indirect_vreg.gather [hbm4b:s1+s3], $0x80, v4, vm0, $0xb8;
	[tilespmem:$0x10400] =	vst v63  }
0x16a: {  	_ = 	snop  }
0x16b: {  	[tilespmem:s11], [sflag:$0x2] =	stream.indirect_vreg.gather [hbm4b:s1+s3], $0x80, v3, vm0, $0xb8;
	[tilespmem:$0x10400] =	vst v63  }
0x16c: {  	v3 =	vld [tilespmem:$0x1F0];
	_ =	sdelay $0x4  }
0x16d: {  	v55 =	vshll.u32 v3, $0x1  }
0x16e: {  	v3 =	vand.u32 $0x7, v3;
	v4 =	vand.u32 $0xFFFFFFF0, v55  }
0x16f: {  	v3 =	vor.u32 v3, v4  }
0x170: {  	v4 =	vperm.xlane v3, v0;
	_ =	sdelay $0x1  }
0x171: {  	v3 =	vperm.xlane v3, v2;
	v4 =	vadd.s32 v1, v4;
	_ =	sdelay $0x1  }
0x172: {  	v3 =	vadd.s32 v1, v3;
	_ =	sdelay $0x2  }
0x173: {  	[tilespmem:s12], [sflag:$0x2] =	stream.indirect_vreg.gather [hbm4b:s1+s3], $0x80, v4, vm0, $0xb8;
	[tilespmem:$0x10400] =	vst v63  }
0x174: {  	_ = 	snop  }
0x175: {  	[tilespmem:s13], [sflag:$0x2] =	stream.indirect_vreg.gather [hbm4b:s1+s3], $0x80, v3, vm0, $0xb8;
	[tilespmem:$0x10400] =	vst v63  }
0x176: {  	_ =	swait.ge [sflag:s31], $0x8000  }
0x177: {  	[sflag:s31] =	ssyncset.done $0x0  }
0x178: {  	s5 =	rddreg [dreg:$0x8];
	[sflag:s31] =	ssyncadd.s32 $0xFFFF8000  }
0x179: {  	[hbm4b:s5+s3] =	stream.linear.scatter [tilespmem:s0], [sflag:$0x4], $0x8000, $0x38;
	[tilespmem:$0x10400] =	vst v63  }
0x17a: {  	_ =	swait.ge [sflag:s2], $0x8000  }
0x17b: {  	[sflag:s2] =	ssyncset.done $0x0  }
0x17c: {  	[sflag:s2] =	ssyncadd.s32 $0xFFFF8000  }
0x17d: {  	v3 =	vld [tilespmem:$0x200];
	_ =	sdelay $0x4  }
0x17e: {  	v56 =	vshll.u32 v3, $0x1  }
0x17f: {  	v3 =	vand.u32 $0x7, v3;
	v4 =	vand.u32 $0xFFFFFFF0, v56  }
0x180: {  	v3 =	vor.u32 v3, v4  }
0x181: {  	v4 =	vperm.xlane v3, v0;
	_ =	sdelay $0x1  }
0x182: {  	v3 =	vperm.xlane v3, v2;
	v4 =	vadd.s32 v1, v4;
	_ =	sdelay $0x1  }
0x183: {  	v3 =	vadd.s32 v1, v3;
	_ =	sdelay $0x2  }
0x184: {  	[tilespmem:s14], [sflag:$0x1] =	stream.indirect_vreg.gather [hbm4b:s1+s3], $0x80, v4, vm0, $0xb8;
	[tilespmem:$0x10400] =	vst v63  }
0x185: {  	s5 =	simm.s32 $0xC00  }
0x186: {  	[tilespmem:s5], [sflag:$0x1] =	stream.indirect_vreg.gather [hbm4b:s1+s3], $0x80, v3, vm0, $0xb8;
	[tilespmem:$0x10400] =	vst v63  }
0x187: {  	v3 =	vld [tilespmem:$0x210];
	_ =	sdelay $0x4  }
0x188: {  	v57 =	vshll.u32 v3, $0x1  }
0x189: {  	v3 =	vand.u32 $0x7, v3;
	v4 =	vand.u32 $0xFFFFFFF0, v57  }
0x18a: {  	v3 =	vor.u32 v3, v4  }
0x18b: {  	v4 =	vperm.xlane v3, v0;
	_ =	sdelay $0x1  }
0x18c: {  	v3 =	vperm.xlane v3, v2;
	v4 =	vadd.s32 v1, v4;
	_ =	sdelay $0x1  }
0x18d: {  	v3 =	vadd.s32 v1, v3;
	_ =	sdelay $0x1  }
0x18e: {  	s24 =	simm.s32 $0x1400  }
0x18f: {  	[tilespmem:s24], [sflag:$0x1] =	stream.indirect_vreg.gather [hbm4b:s1+s3], $0x80, v4, vm0, $0xb8;
	[tilespmem:$0x10400] =	vst v63  }
0x190: {  	s5 =	simm.s32 $0x1C00  }
0x191: {  	[tilespmem:s5], [sflag:$0x1] =	stream.indirect_vreg.gather [hbm4b:s1+s3], $0x80, v3, vm0, $0xb8;
	[tilespmem:$0x10400] =	vst v63  }
0x192: {  	v3 =	vld [tilespmem:$0x220];
	_ =	sdelay $0x4  }
0x193: {  	v58 =	vshll.u32 v3, $0x1  }
0x194: {  	v3 =	vand.u32 $0x7, v3;
	v4 =	vand.u32 $0xFFFFFFF0, v58  }
0x195: {  	v3 =	vor.u32 v3, v4  }
0x196: {  	v4 =	vperm.xlane v3, v0;
	_ =	sdelay $0x1  }
0x197: {  	v3 =	vperm.xlane v3, v2;
	v4 =	vadd.s32 v1, v4;
	_ =	sdelay $0x1  }
0x198: {  	v3 =	vadd.s32 v1, v3;
	_ =	sdelay $0x1  }
0x199: {  	s24 =	simm.s32 $0x2400  }
0x19a: {  	[tilespmem:s24], [sflag:$0x1] =	stream.indirect_vreg.gather [hbm4b:s1+s3], $0x80, v4, vm0, $0xb8;
	[tilespmem:$0x10400] =	vst v63  }
0x19b: {  	s5 =	simm.s32 $0x2C00  }
0x19c: {  	[tilespmem:s5], [sflag:$0x1] =	stream.indirect_vreg.gather [hbm4b:s1+s3], $0x80, v3, vm0, $0xb8;
	[tilespmem:$0x10400] =	vst v63  }
0x19d: {  	v3 =	vld [tilespmem:$0x230];
	_ =	sdelay $0x4  }
0x19e: {  	v59 =	vshll.u32 v3, $0x1  }
0x19f: {  	v3 =	vand.u32 $0x7, v3;
	v4 =	vand.u32 $0xFFFFFFF0, v59  }
0x1a0: {  	v3 =	vor.u32 v3, v4  }
0x1a1: {  	v4 =	vperm.xlane v3, v0;
	_ =	sdelay $0x1  }
0x1a2: {  	v3 =	vperm.xlane v3, v2;
	v4 =	vadd.s32 v1, v4;
	_ =	sdelay $0x1  }
0x1a3: {  	v3 =	vadd.s32 v1, v3;
	_ =	sdelay $0x1  }
0x1a4: {  	s24 =	simm.s32 $0x3400  }
0x1a5: {  	[tilespmem:s24], [sflag:$0x1] =	stream.indirect_vreg.gather [hbm4b:s1+s3], $0x80, v4, vm0, $0xb8;
	[tilespmem:$0x10400] =	vst v63  }
0x1a6: {  	s5 =	simm.s32 $0x3C00  }
0x1a7: {  	[tilespmem:s5], [sflag:$0x1] =	stream.indirect_vreg.gather [hbm4b:s1+s3], $0x80, v3, vm0, $0xb8;
	[tilespmem:$0x10400] =	vst v63  }
0x1a8: {  	v3 =	vld [tilespmem:$0x240];
	_ =	sdelay $0x4  }
0x1a9: {  	v60 =	vshll.u32 v3, $0x1  }
0x1aa: {  	v3 =	vand.u32 $0x7, v3;
	v4 =	vand.u32 $0xFFFFFFF0, v60  }
0x1ab: {  	v3 =	vor.u32 v3, v4  }
0x1ac: {  	v4 =	vperm.xlane v3, v0;
	_ =	sdelay $0x1  }
0x1ad: {  	v3 =	vperm.xlane v3, v2;
	v4 =	vadd.s32 v1, v4;
	_ =	sdelay $0x1  }
0x1ae: {  	v3 =	vadd.s32 v1, v3;
	_ =	sdelay $0x2  }
0x1af: {  	[tilespmem:s15], [sflag:$0x1] =	stream.indirect_vreg.gather [hbm4b:s1+s3], $0x80, v4, vm0, $0xb8;
	[tilespmem:$0x10400] =	vst v63  }
0x1b0: {  	_ = 	snop  }
0x1b1: {  	[tilespmem:s16], [sflag:$0x1] =	stream.indirect_vreg.gather [hbm4b:s1+s3], $0x80, v3, vm0, $0xb8;
	[tilespmem:$0x10400] =	vst v63  }
0x1b2: {  	v3 =	vld [tilespmem:$0x250];
	_ =	sdelay $0x4  }
0x1b3: {  	v61 =	vshll.u32 v3, $0x1  }
0x1b4: {  	v3 =	vand.u32 $0x7, v3;
	v4 =	vand.u32 $0xFFFFFFF0, v61  }
0x1b5: {  	v3 =	vor.u32 v3, v4  }
0x1b6: {  	v4 =	vperm.xlane v3, v0;
	_ =	sdelay $0x1  }
0x1b7: {  	v3 =	vperm.xlane v3, v2;
	v4 =	vadd.s32 v1, v4;
	_ =	sdelay $0x1  }
0x1b8: {  	v3 =	vadd.s32 v1, v3;
	_ =	sdelay $0x2  }
0x1b9: {  	[tilespmem:s17], [sflag:$0x1] =	stream.indirect_vreg.gather [hbm4b:s1+s3], $0x80, v4, vm0, $0xb8;
	[tilespmem:$0x10400] =	vst v63  }
0x1ba: {  	_ = 	snop  }
0x1bb: {  	[tilespmem:s18], [sflag:$0x1] =	stream.indirect_vreg.gather [hbm4b:s1+s3], $0x80, v3, vm0, $0xb8;
	[tilespmem:$0x10400] =	vst v63  }
0x1bc: {  	v3 =	vld [tilespmem:$0x260];
	_ =	sdelay $0x4  }
0x1bd: {  	v62 =	vshll.u32 v3, $0x1  }
0x1be: {  	v3 =	vand.u32 $0x7, v3;
	v4 =	vand.u32 $0xFFFFFFF0, v62  }
0x1bf: {  	v3 =	vor.u32 v3, v4  }
0x1c0: {  	v4 =	vperm.xlane v3, v0;
	_ =	sdelay $0x1  }
0x1c1: {  	v3 =	vperm.xlane v3, v2;
	v4 =	vadd.s32 v1, v4;
	_ =	sdelay $0x1  }
0x1c2: {  	v3 =	vadd.s32 v1, v3;
	_ =	sdelay $0x2  }
0x1c3: {  	[tilespmem:s19], [sflag:$0x1] =	stream.indirect_vreg.gather [hbm4b:s1+s3], $0x80, v4, vm0, $0xb8;
	[tilespmem:$0x10400] =	vst v63  }
0x1c4: {  	_ = 	snop  }
0x1c5: {  	[tilespmem:s20], [sflag:$0x1] =	stream.indirect_vreg.gather [hbm4b:s1+s3], $0x80, v3, vm0, $0xb8;
	[tilespmem:$0x10400] =	vst v63  }
0x1c6: {  	v3 =	vld [tilespmem:$0x270];
	_ =	sdelay $0x4  }
0x1c7: {  	v63 =	vshll.u32 v3, $0x1  }
0x1c8: {  	v3 =	vand.u32 $0x7, v3;
	v4 =	vand.u32 $0xFFFFFFF0, v63  }
0x1c9: {  	v3 =	vor.u32 v3, v4  }
0x1ca: {  	v4 =	vperm.xlane v3, v0;
	_ =	sdelay $0x1  }
0x1cb: {  	v3 =	vperm.xlane v3, v2;
	v4 =	vadd.s32 v1, v4;
	_ =	sdelay $0x1  }
0x1cc: {  	v3 =	vadd.s32 v1, v3;
	_ =	sdelay $0x2  }
0x1cd: {  	[tilespmem:s21], [sflag:$0x1] =	stream.indirect_vreg.gather [hbm4b:s1+s3], $0x80, v4, vm0, $0xb8;
	[tilespmem:$0x10400] =	vst v63  }
0x1ce: {  	s24 =	simm.s32 $0x7C00  }
0x1cf: {  	[tilespmem:s24], [sflag:$0x1] =	stream.indirect_vreg.gather [hbm4b:s1+s3], $0x80, v3, vm0, $0xb8;
	[tilespmem:$0x10400] =	vst v63  }
0x1d0: {  	_ =	swait.ge [sflag:s22], $0x8000  }
0x1d1: {  	p0 =	sne.s32 s4, $0x1;
	[sflag:s22] =	ssyncset.done $0x0  }
.Ltmp0:
0x1d2: {  	s5 =	rddreg [dreg:$0x9];
	[sflag:s22] =	ssyncadd.s32 $0xFFFF8000;
	(pc) =	sbr.rel @p0 .LBB2_1-.Ltmp0, $4  }
0x1d3: {  	[hbm4b:s5+s3] =	stream.linear.scatter [tilespmem:s14], [sflag:$0x3], $0x8000, $0x38;
	[tilespmem:$0x10400] =	vst v63  }
0x1d4: {  	_ =	swait.ge [sflag:s2], $0x8000  }
0x1d5: {  	[sflag:s2] =	ssyncset.done $0x0  }
0x1d6: {  	s4 =	sadd.s32 $0xFFFFFFFF, s4;
	[sflag:s2] =	ssyncadd.s32 $0xFFFF8000  }
0x1d7: {  	_ =	sfence.sel $0x180000  }
0x1d8: {  	[bflag:$0x0] =	sbarrier.arrive $0xFFFF  }
0x1d9: {  	_ =	strace $0x90000047  }
0x1da: {  	s0 =	stileid.u32;
	[bflag:$0x2] =	sbarrier.arrive $0xFFFF  }
0x1db: {  	p0 =	sne.s32 s0, $0x0;
	s0 =	rddreg [dreg:$0x3]  }
0x1dc: {  	s0 =	sadd.s32 @!p0 $0x100000, s0  }
0x1dd: {  	[sflag:s0] =	ssyncadd.tile.s32 @!p0 $0x1;
	_ =	shalt  }
.Lfunc_end2:
_tile_overlayer_lowered:
.L_overlay_start_2:
0x1de: {  	(tag) =	ssettag $0x2  }
0x1df: {  	s0 =	rddreg [dreg:$0x0];
	s2 =	stileid.u32  }
0x1e0: {  	s1 =	rddreg [dreg:$0x1];
	p0 =	sne.s32 s2, $0x0  }
0x1e1: {  	s3 =	rddreg [dreg:$0x2];
	[bflag:$0x3] =	sbarrier.arrive $0xFFFF;
	s2 =	simm.s32 @!p0 $0x1C05  }
0x1e2: {  	[timem:s3], [sflag:s2] =	dma.local @!p0 [hbm:s0], s1  }
0x1e3: {  	s0 =	simm.s32 @!p0 $0x5  }
0x1e4: {  	_ =	swait.ge @!p0 [sflag:s0], s1  }
0x1e5: {  	s1 =	ssub.s32 @!p0 $0x0, s1;
	[sflag:s0] =	ssyncset.done @!p0 $0x0  }
0x1e6: {  	[sflag:s0] =	ssyncadd.s32 @!p0 s1  }
0x1e7: {  	[bflag:$0x3] =	sbarrier.arrive $0xFFFF  }
0x1e8: {  	_ =	shalt  }

</sc_bundles>
